<compile_context>
chip_gen: v7x
topology: tpu7x:2x2x1
jax: 0.10.2.dev20260603
libtpu: 0.0.44.dev20260713+nightly
codegen_flags: <defaults>
</compile_context>

<pallas_src>
import functools

import jax
import jax.numpy as jnp
from jax import lax
from jax.experimental import pallas as pl
from jax.experimental.pallas import tpu as pltpu
from jax.experimental.pallas import tpu_sc as plsc

_N = 10000
_E = 320000
_H = 128
_B = 10
_NPG = 1000
_ZA = 64
_ZI = 64

_NC = 2
_NS = 16
_NW = _NC * _NS
_EPW = _E // _NW
_K = 80
_NCH = _EPW // _K
_NP = 10240
_RPS = _NP // _NS

_F32 = jnp.float32


def _mesh():
    return plsc.VectorSubcoreMesh(core_axis_name="c", subcore_axis_name="s")



def _sc_deg(dst_r, ones_k, zcol):

    def body(dst_hbm, ones_hbm, z_hbm, out_hbm, idxd, onesv, accd):
        cid = lax.axis_index("c")
        sid = lax.axis_index("s")
        wid = cid * _NS + sid
        pltpu.sync_copy(dst_hbm.at[wid], idxd)
        pltpu.sync_copy(ones_hbm, onesv)

        @pl.when(sid == 0)
        def _():
            pltpu.sync_copy(z_hbm, accd)

        plsc.subcore_barrier()

        def chunk(i, carry):
            pltpu.sync_copy(onesv, accd.at[idxd.at[i]], add=True)
            return carry

        lax.fori_loop(0, _NCH, chunk, 0)
        plsc.subcore_barrier()

        @pl.when(sid == 0)
        def _():
            pltpu.sync_copy(accd, out_hbm.at[cid])

    return pl.kernel(
        body,
        out_type=jax.ShapeDtypeStruct((_NC, _N), _F32),
        mesh=_mesh(),
        scratch_types=[
            pltpu.VMEM((_NCH, _K), jnp.int32),
            pltpu.VMEM((_K,), _F32),
            pltpu.VMEM_SHARED((_N,), _F32),
        ],
    )(dst_r, ones_k, zcol)


def _sc_mp(src_r, dst_r, u, zrows):

    def body(src_hbm, dst_hbm, u_hbm, z_hbm, out_hbm, idxs, idxd, rows, acc, sem):
        cid = lax.axis_index("c")
        sid = lax.axis_index("s")
        wid = cid * _NS + sid
        row0 = sid * _RPS
        pltpu.sync_copy(z_hbm.at[pl.ds(row0, _RPS)], acc.at[pl.ds(row0, _RPS)])
        pltpu.sync_copy(src_hbm.at[wid], idxs)
        pltpu.sync_copy(dst_hbm.at[wid], idxd)
        plsc.subcore_barrier()

        def chunk(i, carry):
            pltpu.async_copy(u_hbm.at[idxs.at[i]], rows, sem).wait()
            pltpu.sync_copy(rows, acc.at[idxd.at[i]], add=True)
            return carry

        lax.fori_loop(0, _NCH, chunk, 0)
        plsc.subcore_barrier()
        pltpu.sync_copy(acc.at[pl.ds(row0, _RPS)],
                        out_hbm.at[pl.ds(cid * _NP + row0, _RPS)])

    return pl.kernel(
        body,
        out_type=jax.ShapeDtypeStruct((_NC * _NP, _H), _F32),
        mesh=_mesh(),
        scratch_types=[
            pltpu.VMEM((_NCH, _K), jnp.int32),
            pltpu.VMEM((_NCH, _K), jnp.int32),
            pltpu.VMEM((_K, _H), _F32),
            pltpu.VMEM_SHARED((_NP, _H), _F32),
            pltpu.SemaphoreType.DMA,
        ],
    )(src_r, dst_r, u, zrows)



def _tc_deg(hist):

    def body(h_ref, o_ref):
        ones = jnp.ones((_NC, 1), _F32)
        s = lax.dot_general(h_ref[...], ones, (((0,), (0,)), ((), ())),
                            preferred_element_type=_F32)
        o_ref[...] = lax.rsqrt(s + 1.0)

    return pl.pallas_call(
        body, out_shape=jax.ShapeDtypeStruct((_N, 1), _F32))(hist)


def _tc_u1(x, W, dinv):
    def body(x_ref, w_ref, d_ref, o_ref):
        o_ref[...] = jnp.dot(x_ref[...], w_ref[...],
                             preferred_element_type=_F32) * d_ref[...]

    return pl.pallas_call(
        body, out_shape=jax.ShapeDtypeStruct((_N, _H), _F32))(x, W, dinv)


def _tc_layer(acc, u, dinv, b, g, be, Wn):
    def body(a_ref, u_ref, d_ref, b_ref, g_ref, be_ref, *rest):
        if Wn is None:
            (h_ref,) = rest
        else:
            w_ref, h_ref, un_ref = rest
        s = a_ref[0:_N, :] + a_ref[_NP:_NP + _N, :] + u_ref[...]
        pre = s * d_ref[...] + b_ref[...]
        m = jnp.mean(pre, axis=0)
        v = jnp.mean(pre * pre, axis=0) - m * m
        hl = jnp.maximum((pre - m) / jnp.sqrt(v + 1e-5) * g_ref[...]
                         + be_ref[...], 0.0)
        h_ref[...] = hl
        if Wn is not None:
            un_ref[...] = jnp.dot(hl, w_ref[...],
                                  preferred_element_type=_F32) * d_ref[...]

    if Wn is None:
        out_shape = jax.ShapeDtypeStruct((_N, _H), _F32)
        return pl.pallas_call(body, out_shape=out_shape)(acc, u, dinv, b, g, be)
    out_shape = (jax.ShapeDtypeStruct((_N, _H), _F32),
                 jax.ShapeDtypeStruct((_N, _H), _F32))
    return pl.pallas_call(body, out_shape=out_shape)(acc, u, dinv, b, g, be, Wn)


def _tc_pool(h1, h2, h3, Wp1, bp1, Wp2):

    def body(h1_ref, h2_ref, h3_ref, w1_ref, b1_ref, w2_ref, o_ref):
        phi = (jnp.dot(h1_ref[...], w1_ref[...], preferred_element_type=_F32)
               + b1_ref[...]
               + jnp.dot(h2_ref[...], w2_ref[...], preferred_element_type=_F32))
        m = jnp.max(phi)
        e = jnp.exp(phi - m)
        a = e / jnp.sum(e)
        hg = lax.dot_general(a, h3_ref[...], (((0,), (0,)), ((), ())),
                             preferred_element_type=_F32)
        o_ref[...] = hg.reshape(1, 1, _H)

    seg = pl.BlockSpec((_NPG, _H), lambda i: (i, 0))
    rep2 = pl.BlockSpec((_H, 1), lambda i: (0, 0))
    rep1 = pl.BlockSpec((1, 1), lambda i: (0, 0))
    out = pl.pallas_call(
        body,
        grid=(_B,),
        in_specs=[seg, seg, seg, rep2, rep1, rep2],
        out_specs=pl.BlockSpec((1, 1, _H), lambda i: (i, 0, 0)),
        out_shape=jax.ShapeDtypeStruct((_B, 1, _H), _F32),
    )(h1, h2, h3, Wp1, bp1, Wp2)
    return out.reshape(_B, _H)


def _tc_head_a(hg, WmuA, bmuA, WlvA, blvA, eps_A, WAt):

    def body(hg_ref, wm_ref, bm_ref, wl_ref, bl_ref, e_ref, wa_ref,
             mu_ref, lv_ref, z_ref, zt_ref):
        mu = jnp.dot(hg_ref[...], wm_ref[...],
                     preferred_element_type=_F32) + bm_ref[...]
        lv = jnp.dot(hg_ref[...], wl_ref[...],
                     preferred_element_type=_F32) + bl_ref[...]
        z = mu + e_ref[...] * jnp.exp(0.5 * lv)
        mu_ref[...] = mu
        lv_ref[...] = lv
        z_ref[...] = z
        zt_ref[...] = jnp.dot(z, wa_ref[...], preferred_element_type=_F32)

    out_shape = (jax.ShapeDtypeStruct((_B, _ZA), _F32),
                 jax.ShapeDtypeStruct((_B, _ZA), _F32),
                 jax.ShapeDtypeStruct((_B, _ZA), _F32),
                 jax.ShapeDtypeStruct((_B, _NPG * _ZI), _F32))
    return pl.pallas_call(body, out_shape=out_shape)(
        hg, WmuA, bmuA, WlvA, blvA, eps_A, WAt)


def _tc_head_b(h3, zt2, Wh, bh, Wmui, bmui, Wlvi, blvi, eps_i):
    def body(h3_ref, zt_ref, wh_ref, bh_ref, wm_ref, bm_ref, wl_ref, bl_ref,
             e_ref, zi_ref, mu_ref, lv_ref):
        s = (jnp.dot(h3_ref[...], wh_ref[...], preferred_element_type=_F32)
             + bh_ref[...] + zt_ref[...])
        mu = jnp.dot(s, wm_ref[...], preferred_element_type=_F32) + bm_ref[...]
        lv = jnp.dot(s, wl_ref[...], preferred_element_type=_F32) + bl_ref[...]
        zi_ref[...] = mu + e_ref[...] * jnp.exp(0.5 * lv)
        mu_ref[...] = mu
        lv_ref[...] = lv

    out_shape = (jax.ShapeDtypeStruct((_N, _ZI), _F32),
                 jax.ShapeDtypeStruct((_N, _ZI), _F32),
                 jax.ShapeDtypeStruct((_N, _ZI), _F32))
    return pl.pallas_call(body, out_shape=out_shape)(
        h3, zt2, Wh, bh, Wmui, bmui, Wlvi, blvi, eps_i)



def kernel(x, edge_index, batch, W1, b1, W2, b2, W3, b3, g1, be1, g2, be2,
           g3, be3, Wp1, bp1, Wp2, WmuA, bmuA, WlvA, blvA, Wh, bh, W_A,
           Wmui, bmui, Wlvi, blvi):
    src = edge_index[0]
    dst = edge_index[1]
    src_r = src.reshape(_NW, _NCH, _K)
    dst_r = dst.reshape(_NW, _NCH, _K)
    zrows = jnp.zeros((_NP, _H), _F32)

    hist = _sc_deg(dst_r, jnp.ones((_K,), _F32), jnp.zeros((_N,), _F32))
    dinv = _tc_deg(hist)

    u1 = _tc_u1(x, W1, dinv)
    acc1 = _sc_mp(src_r, dst_r, u1, zrows)
    h1, u2 = _tc_layer(acc1, u1, dinv, b1, g1, be1, W2)
    acc2 = _sc_mp(src_r, dst_r, u2, zrows)
    h2, u3 = _tc_layer(acc2, u2, dinv, b2, g2, be2, W3)
    acc3 = _sc_mp(src_r, dst_r, u3, zrows)
    h3 = _tc_layer(acc3, u3, dinv, b3, g3, be3, None)

    hg = _tc_pool(h1, h2, h3, Wp1, bp1.reshape(1, 1), Wp2)

    rk = jax.random.key(42)
    eps_A = jax.random.normal(jax.random.fold_in(rk, 1), (_B, _ZA), _F32)
    eps_i = jax.random.normal(jax.random.fold_in(rk, 2), (_N, _ZI), _F32)

    WAt = jnp.transpose(W_A, (1, 0, 2)).reshape(_ZA, _NPG * _ZI)
    mu_A, logvar_A, z_A, zt = _tc_head_a(hg, WmuA, bmuA, WlvA, blvA,
                                         eps_A, WAt)
    zt2 = zt.reshape(_N, _ZI)
    z_i, mu_i, logvar_i = _tc_head_b(h3, zt2, Wh, bh, Wmui, bmui,
                                     Wlvi, blvi, eps_i)
    return (z_i, mu_i, logvar_i, z_A, mu_A, logvar_A)

# --- scband reference (transcript-rebuilt; emitter-appended) ---
"""Pipeline reference for scband-inference-model-25116968747267 (READ-ONLY COPY).

The authoritative reference and input builder live on the scoring server;
editing this copy changes nothing except your own understanding.
"""

import jax, jax.numpy as jnp
import numpy as np

N = 10000; E = 320000; F = 128; H = 128; ZA = 64; ZI = 64; NPG = 1000; B = 10

def _gcn(x, src, dst, W, b, n):
    h = x @ W
    loop = jnp.arange(n)
    s = jnp.concatenate([src, loop])
    d = jnp.concatenate([dst, loop])
    deg = jax.ops.segment_sum(jnp.ones(s.shape[0], x.dtype), d, num_segments=n)
    dinv = 1.0 / jnp.sqrt(jnp.clip(deg, 1e-12, None))
    norm = dinv[s] * dinv[d]
    out = jax.ops.segment_sum(h[s] * norm[:, None], d, num_segments=n)
    return out + b

def _bn(h, g, b):
    m = h.mean(0)
    v = h.var(0)
    return (h - m) / jnp.sqrt(v + 1e-5) * g + b

def _scatter_softmax(s, seg, nseg):
    m = jax.ops.segment_max(s, seg, num_segments=nseg)
    e = jnp.exp(s - m[seg])
    z = jax.ops.segment_sum(e, seg, num_segments=nseg)
    return e / z[seg]

def setup_inputs(seed: int = 0):
    key = jax.random.key(seed)
    ks = jax.random.split(key, 32)
    def w(i, shape, fan):
        return (jax.random.normal(ks[i], shape, jnp.float32) / np.sqrt(fan)).astype(jnp.float32)
    inp = {}
    inp['x'] = jax.random.normal(ks[0], (N, F), jnp.float32)
    inp['edge_index'] = jax.random.randint(ks[1], (2, E), 0, N, dtype=jnp.int32)
    inp['batch'] = jnp.repeat(jnp.arange(B, dtype=jnp.int32), NPG)
    inp['W1'] = w(2, (F, H), F); inp['b1'] = jnp.zeros(H, jnp.float32)
    inp['W2'] = w(3, (H, H), H); inp['b2'] = jnp.zeros(H, jnp.float32)
    inp['W3'] = w(4, (H, H), H); inp['b3'] = jnp.zeros(H, jnp.float32)
    inp['g1'] = jnp.ones(H, jnp.float32); inp['be1'] = jnp.zeros(H, jnp.float32)
    inp['g2'] = jnp.ones(H, jnp.float32); inp['be2'] = jnp.zeros(H, jnp.float32)
    inp['g3'] = jnp.ones(H, jnp.float32); inp['be3'] = jnp.zeros(H, jnp.float32)
    inp['Wp1'] = w(5, (H, 1), H); inp['bp1'] = jnp.zeros(1, jnp.float32)
    inp['Wp2'] = w(6, (H, 1), H)
    inp['WmuA'] = w(7, (H, ZA), H); inp['bmuA'] = jnp.zeros(ZA, jnp.float32)
    inp['WlvA'] = w(8, (H, ZA), H); inp['blvA'] = jnp.zeros(ZA, jnp.float32)
    inp['Wh'] = w(9, (H, ZI), H); inp['bh'] = jnp.zeros(ZI, jnp.float32)
    inp['W_A'] = jax.random.normal(ks[10], (NPG, ZA, ZI), jnp.float32) * 0.05
    inp['Wmui'] = w(11, (ZI, ZI), ZI); inp['bmui'] = jnp.zeros(ZI, jnp.float32)
    inp['Wlvi'] = w(12, (ZI, ZI), ZI); inp['blvi'] = jnp.zeros(ZI, jnp.float32)
    return inp

def reference(x, edge_index, batch, W1, b1, W2, b2, W3, b3, g1, be1, g2, be2, g3, be3, Wp1, bp1, Wp2, WmuA, bmuA, WlvA, blvA, Wh, bh, W_A, Wmui, bmui, Wlvi, blvi):
    src = edge_index[0]; dst = edge_index[1]
    h1 = jax.nn.relu(_bn(_gcn(x, src, dst, W1, b1, N), g1, be1))
    h2 = jax.nn.relu(_bn(_gcn(h1, src, dst, W2, b2, N), g2, be2))
    h3 = jax.nn.relu(_bn(_gcn(h2, src, dst, W3, b3, N), g3, be3))
    phi = (h1 @ Wp1 + bp1) + (h2 @ Wp2)
    attn = _scatter_softmax(phi[:, 0], batch, B)
    h_graph = jax.ops.segment_sum(h3 * attn[:, None], batch, num_segments=B)
    mu_A = h_graph @ WmuA + bmuA
    logvar_A = h_graph @ WlvA + blvA
    rk = jax.random.key(42)
    eps_A = jax.random.normal(jax.random.fold_in(rk, 1), mu_A.shape, mu_A.dtype)
    z_A = mu_A + eps_A * jnp.exp(0.5 * logvar_A)
    z_A_exp = z_A[batch]
    z_r = z_A_exp.reshape(B, NPG, ZA).transpose(1, 0, 2)
    z_t = jnp.einsum('ngf,nbg->nbf', W_A, z_r)
    z_t = z_t.transpose(1, 0, 2).reshape(NPG * B, ZI)
    s_i = h3 @ Wh + bh + z_t
    mu_i = s_i @ Wmui + bmui
    logvar_i = s_i @ Wlvi + blvi
    eps_i = jax.random.normal(jax.random.fold_in(rk, 2), mu_i.shape, mu_i.dtype)
    z_i = mu_i + eps_i * jnp.exp(0.5 * logvar_i)
    return (z_i, mu_i, logvar_i, z_A, mu_A, logvar_A)

if __name__ == "__main__":
    import jax
    _d = setup_inputs()
    print(jax.jit(kernel)(*tuple(_d.values())))

</pallas_src>

<mosaic_0001>
#map = affine_map<(d0, d1) -> (0, 0, 0)>
#map1 = affine_map<(d0, d1) -> (0, 0)>
module attributes {stable_mosaic.version = 14 : i64} {
  func.func @body(%arg0: i32, %arg1: i32, %arg2: memref<32x125x80xi32, #tpu.memory_space<hbm>>, %arg3: memref<32x125x80xi32, #tpu.memory_space<hbm>>, %arg4: memref<10000x128xf32, #tpu.memory_space<hbm>>, %arg5: memref<10240x128xf32, #tpu.memory_space<hbm>>, %arg6: memref<20480x128xf32, #tpu.memory_space<hbm>>, %arg7: memref<125x80xi32, #tpu.memory_space<vmem>>, %arg8: memref<125x80xi32, #tpu.memory_space<vmem>>, %arg9: memref<80x128xf32, #tpu.memory_space<vmem>>, %arg10: memref<10240x128xf32, #tpu.memory_space<vmem_shared>>, %arg11: memref<!tpu.dma_semaphore, #tpu.memory_space<semaphore_mem>>) attributes {dimension_semantics = [#tpu.dimension_semantics<core_parallel>, #tpu.dimension_semantics<subcore_parallel>], iteration_bounds = array<i64: 2, 16>, scalar_prefetch = 0 : i64, scratch_operands = 5 : i64, tpu.core_type = #tpu.core_type<sc_vector_subcore>, window_params = [{transform_indices = #map}, {transform_indices = #map}, {transform_indices = #map1}, {transform_indices = #map1}, {transform_indices = #map1}]} {
    %mul3A = arith.constant 16 : i32
    %mul3A_0 = arith.muli %arg0, %mul3A : i32
    %add3A = arith.addi %mul3A_0, %arg1 : i32
    %mul3A_1 = arith.constant 640 : i32
    %mul3A_2 = arith.muli %arg1, %mul3A_1 : i32
    "tpu.region"() ({
      %run_scoped3A = tpu.sem_alloc : memref<!tpu.dma_semaphore, #tpu.memory_space<semaphore_mem>>
      %dma_start3A = arith.constant 0 : i32
      %dma_start3A_12 = tpu.memref_slice %arg10[%mul3A_2, %dma_start3A] : memref<10240x128xf32, #tpu.memory_space<vmem_shared>> -> memref<640x128xf32, #tpu.memory_space<vmem_shared>>
      %dma_start3A_13 = arith.constant 0 : i32
      %dma_start3A_14 = tpu.memref_slice %arg5[%mul3A_2, %dma_start3A_13] : memref<10240x128xf32, #tpu.memory_space<hbm>> -> memref<640x128xf32, #tpu.memory_space<hbm>>
      tpu.enqueue_dma source(%dma_start3A_14 : memref<640x128xf32, #tpu.memory_space<hbm>>) target(%dma_start3A_12 : memref<640x128xf32, #tpu.memory_space<vmem_shared>>) target_semaphore(%run_scoped3A : memref<!tpu.dma_semaphore, #tpu.memory_space<semaphore_mem>>)
      %dma_wait3A = arith.constant 0 : i32
      %dma_wait3A_15 = tpu.memref_slice %arg10[%mul3A_2, %dma_wait3A] : memref<10240x128xf32, #tpu.memory_space<vmem_shared>> -> memref<640x128xf32, #tpu.memory_space<vmem_shared>>
      %dma_wait3A_16 = arith.constant 0 : i32
      %dma_wait3A_17 = tpu.memref_slice %arg5[%mul3A_2, %dma_wait3A_16] : memref<10240x128xf32, #tpu.memory_space<hbm>> -> memref<640x128xf32, #tpu.memory_space<hbm>>
      tpu.wait_dma2 semaphore(%run_scoped3A : memref<!tpu.dma_semaphore, #tpu.memory_space<semaphore_mem>>) src(%dma_wait3A_17 : memref<640x128xf32, #tpu.memory_space<hbm>>) dst(%dma_wait3A_15 : memref<640x128xf32, #tpu.memory_space<vmem_shared>>)
      tpu.yield
    }) : () -> ()
    "tpu.region"() ({
      %run_scoped3A = tpu.sem_alloc : memref<!tpu.dma_semaphore, #tpu.memory_space<semaphore_mem>>
      %dma_start3A = arith.constant 0 : i32
      %dma_start3A_12 = arith.constant 0 : i32
      %dma_start3A_13 = tpu.memref_slice %arg2[%add3A, %dma_start3A, %dma_start3A_12] : memref<32x125x80xi32, #tpu.memory_space<hbm>> -> memref<1x125x80xi32, #tpu.memory_space<hbm>>
      %dma_start3A_14 = tpu.memref_squeeze %dma_start3A_13 : memref<1x125x80xi32, #tpu.memory_space<hbm>> -> memref<125x80xi32, #tpu.memory_space<hbm>>
      %dma_start3A_15 = arith.constant 0 : i32
      %dma_start3A_16 = arith.constant 0 : i32
      %dma_start3A_17 = tpu.memref_slice %arg2[%add3A, %dma_start3A_15, %dma_start3A_16] : memref<32x125x80xi32, #tpu.memory_space<hbm>> -> memref<1x125x80xi32, #tpu.memory_space<hbm>>
      %dma_start3A_18 = tpu.memref_squeeze %dma_start3A_17 : memref<1x125x80xi32, #tpu.memory_space<hbm>> -> memref<125x80xi32, #tpu.memory_space<hbm>>
      tpu.enqueue_dma source(%dma_start3A_18 : memref<125x80xi32, #tpu.memory_space<hbm>>) target(%arg7 : memref<125x80xi32, #tpu.memory_space<vmem>>) target_semaphore(%run_scoped3A : memref<!tpu.dma_semaphore, #tpu.memory_space<semaphore_mem>>)
      %dma_wait3A = arith.constant 0 : i32
      %dma_wait3A_19 = arith.constant 0 : i32
      %dma_wait3A_20 = tpu.memref_slice %arg2[%add3A, %dma_wait3A, %dma_wait3A_19] : memref<32x125x80xi32, #tpu.memory_space<hbm>> -> memref<1x125x80xi32, #tpu.memory_space<hbm>>
      %dma_wait3A_21 = tpu.memref_squeeze %dma_wait3A_20 : memref<1x125x80xi32, #tpu.memory_space<hbm>> -> memref<125x80xi32, #tpu.memory_space<hbm>>
      %dma_wait3A_22 = arith.constant 0 : i32
      %dma_wait3A_23 = arith.constant 0 : i32
      %dma_wait3A_24 = tpu.memref_slice %arg2[%add3A, %dma_wait3A_22, %dma_wait3A_23] : memref<32x125x80xi32, #tpu.memory_space<hbm>> -> memref<1x125x80xi32, #tpu.memory_space<hbm>>
      %dma_wait3A_25 = tpu.memref_squeeze %dma_wait3A_24 : memref<1x125x80xi32, #tpu.memory_space<hbm>> -> memref<125x80xi32, #tpu.memory_space<hbm>>
      tpu.wait_dma2 semaphore(%run_scoped3A : memref<!tpu.dma_semaphore, #tpu.memory_space<semaphore_mem>>) src(%dma_wait3A_25 : memref<125x80xi32, #tpu.memory_space<hbm>>) dst(%arg7 : memref<125x80xi32, #tpu.memory_space<vmem>>)
      tpu.yield
    }) : () -> ()
    "tpu.region"() ({
      %run_scoped3A = tpu.sem_alloc : memref<!tpu.dma_semaphore, #tpu.memory_space<semaphore_mem>>
      %dma_start3A = arith.constant 0 : i32
      %dma_start3A_12 = arith.constant 0 : i32
      %dma_start3A_13 = tpu.memref_slice %arg3[%add3A, %dma_start3A, %dma_start3A_12] : memref<32x125x80xi32, #tpu.memory_space<hbm>> -> memref<1x125x80xi32, #tpu.memory_space<hbm>>
      %dma_start3A_14 = tpu.memref_squeeze %dma_start3A_13 : memref<1x125x80xi32, #tpu.memory_space<hbm>> -> memref<125x80xi32, #tpu.memory_space<hbm>>
      %dma_start3A_15 = arith.constant 0 : i32
      %dma_start3A_16 = arith.constant 0 : i32
      %dma_start3A_17 = tpu.memref_slice %arg3[%add3A, %dma_start3A_15, %dma_start3A_16] : memref<32x125x80xi32, #tpu.memory_space<hbm>> -> memref<1x125x80xi32, #tpu.memory_space<hbm>>
      %dma_start3A_18 = tpu.memref_squeeze %dma_start3A_17 : memref<1x125x80xi32, #tpu.memory_space<hbm>> -> memref<125x80xi32, #tpu.memory_space<hbm>>
      tpu.enqueue_dma source(%dma_start3A_18 : memref<125x80xi32, #tpu.memory_space<hbm>>) target(%arg8 : memref<125x80xi32, #tpu.memory_space<vmem>>) target_semaphore(%run_scoped3A : memref<!tpu.dma_semaphore, #tpu.memory_space<semaphore_mem>>)
      %dma_wait3A = arith.constant 0 : i32
      %dma_wait3A_19 = arith.constant 0 : i32
      %dma_wait3A_20 = tpu.memref_slice %arg3[%add3A, %dma_wait3A, %dma_wait3A_19] : memref<32x125x80xi32, #tpu.memory_space<hbm>> -> memref<1x125x80xi32, #tpu.memory_space<hbm>>
      %dma_wait3A_21 = tpu.memref_squeeze %dma_wait3A_20 : memref<1x125x80xi32, #tpu.memory_space<hbm>> -> memref<125x80xi32, #tpu.memory_space<hbm>>
      %dma_wait3A_22 = arith.constant 0 : i32
      %dma_wait3A_23 = arith.constant 0 : i32
      %dma_wait3A_24 = tpu.memref_slice %arg3[%add3A, %dma_wait3A_22, %dma_wait3A_23] : memref<32x125x80xi32, #tpu.memory_space<hbm>> -> memref<1x125x80xi32, #tpu.memory_space<hbm>>
      %dma_wait3A_25 = tpu.memref_squeeze %dma_wait3A_24 : memref<1x125x80xi32, #tpu.memory_space<hbm>> -> memref<125x80xi32, #tpu.memory_space<hbm>>
      tpu.wait_dma2 semaphore(%run_scoped3A : memref<!tpu.dma_semaphore, #tpu.memory_space<semaphore_mem>>) src(%dma_wait3A_25 : memref<125x80xi32, #tpu.memory_space<hbm>>) dst(%arg8 : memref<125x80xi32, #tpu.memory_space<vmem>>)
      tpu.yield
    }) : () -> ()
    %barrier3A = arith.constant 0 : index
    tpu.barrier barrier_id(%barrier3A)
    %scan3A = arith.constant 0 : i32
    %scan3A_3 = arith.constant 0 : i32
    %scan3A_4 = arith.constant 125 : i32
    %scan3A_5 = arith.addi %scan3A_3, %scan3A_4 : i32
    %scan3A_6 = arith.constant 1 : i32
    scf.for %scan3A_12 = %scan3A_3 to %scan3A_5 step %scan3A_6  : i32 {
      %dma_start3A = arith.constant 0 : i32
      %dma_start3A_13 = tpu.memref_slice %arg7[%scan3A_12, %dma_start3A] : memref<125x80xi32, #tpu.memory_space<vmem>> -> memref<1x80xi32, #tpu.memory_space<vmem>>
      %dma_start3A_14 = tpu.memref_squeeze %dma_start3A_13 : memref<1x80xi32, #tpu.memory_space<vmem>> -> memref<80xi32, #tpu.memory_space<vmem>>
      %dma_start3A_15 = arith.constant 0 : i32
      %dma_start3A_16 = arith.constant 0 : i32
      %dma_start3A_17 = tpu.memref_slice %arg4[%dma_start3A_15, %dma_start3A_16] : memref<10000x128xf32, #tpu.memory_space<hbm>> -> memref<10000x128xf32, #tpu.memory_space<hbm>>
      tpu.enqueue_indirect_dma source(%dma_start3A_17 : memref<10000x128xf32, #tpu.memory_space<hbm>>) target(%arg9 : memref<80x128xf32, #tpu.memory_space<vmem>>) offsets(%dma_start3A_14 : memref<80xi32, #tpu.memory_space<vmem>>) semaphore(%arg11 : memref<!tpu.dma_semaphore, #tpu.memory_space<semaphore_mem>>)
      %dma_wait3A = arith.constant 0 : i32
      %dma_wait3A_18 = tpu.memref_slice %arg7[%scan3A_12, %dma_wait3A] : memref<125x80xi32, #tpu.memory_space<vmem>> -> memref<1x80xi32, #tpu.memory_space<vmem>>
      %dma_wait3A_19 = tpu.memref_squeeze %dma_wait3A_18 : memref<1x80xi32, #tpu.memory_space<vmem>> -> memref<80xi32, #tpu.memory_space<vmem>>
      %dma_wait3A_20 = arith.constant 0 : i32
      %dma_wait3A_21 = arith.constant 0 : i32
      %dma_wait3A_22 = tpu.memref_slice %arg4[%dma_wait3A_20, %dma_wait3A_21] : memref<10000x128xf32, #tpu.memory_space<hbm>> -> memref<10000x128xf32, #tpu.memory_space<hbm>>
      tpu.wait_indirect_dma semaphore(%arg11 : memref<!tpu.dma_semaphore, #tpu.memory_space<semaphore_mem>>) src(%dma_wait3A_22 : memref<10000x128xf32, #tpu.memory_space<hbm>>) dst(%arg9 : memref<80x128xf32, #tpu.memory_space<vmem>>)
      "tpu.region"() ({
        %run_scoped3A = tpu.sem_alloc : memref<!tpu.dma_semaphore, #tpu.memory_space<semaphore_mem>>
        %dma_start3A_23 = arith.constant 0 : i32
        %dma_start3A_24 = tpu.memref_slice %arg8[%scan3A_12, %dma_start3A_23] : memref<125x80xi32, #tpu.memory_space<vmem>> -> memref<1x80xi32, #tpu.memory_space<vmem>>
        %dma_start3A_25 = tpu.memref_squeeze %dma_start3A_24 : memref<1x80xi32, #tpu.memory_space<vmem>> -> memref<80xi32, #tpu.memory_space<vmem>>
        %dma_start3A_26 = arith.constant 0 : i32
        %dma_start3A_27 = arith.constant 0 : i32
        %dma_start3A_28 = tpu.memref_slice %arg10[%dma_start3A_26, %dma_start3A_27] : memref<10240x128xf32, #tpu.memory_space<vmem_shared>> -> memref<10240x128xf32, #tpu.memory_space<vmem_shared>>
        tpu.enqueue_indirect_dma source(%arg9 : memref<80x128xf32, #tpu.memory_space<vmem>>) target(%dma_start3A_28 : memref<10240x128xf32, #tpu.memory_space<vmem_shared>>) offsets(%dma_start3A_25 : memref<80xi32, #tpu.memory_space<vmem>>) semaphore(%run_scoped3A : memref<!tpu.dma_semaphore, #tpu.memory_space<semaphore_mem>>) {add = true}
        %dma_wait3A_29 = arith.constant 0 : i32
        %dma_wait3A_30 = tpu.memref_slice %arg8[%scan3A_12, %dma_wait3A_29] : memref<125x80xi32, #tpu.memory_space<vmem>> -> memref<1x80xi32, #tpu.memory_space<vmem>>
        %dma_wait3A_31 = tpu.memref_squeeze %dma_wait3A_30 : memref<1x80xi32, #tpu.memory_space<vmem>> -> memref<80xi32, #tpu.memory_space<vmem>>
        %dma_wait3A_32 = arith.constant 0 : i32
        %dma_wait3A_33 = arith.constant 0 : i32
        %dma_wait3A_34 = tpu.memref_slice %arg10[%dma_wait3A_32, %dma_wait3A_33] : memref<10240x128xf32, #tpu.memory_space<vmem_shared>> -> memref<10240x128xf32, #tpu.memory_space<vmem_shared>>
        tpu.wait_indirect_dma semaphore(%run_scoped3A : memref<!tpu.dma_semaphore, #tpu.memory_space<semaphore_mem>>) src(%arg9 : memref<80x128xf32, #tpu.memory_space<vmem>>) dst(%dma_wait3A_34 : memref<10240x128xf32, #tpu.memory_space<vmem_shared>>)
        tpu.yield
      }) : () -> ()
    }
    %scan3A_7 = arith.constant 125 : i32
    %barrier3A_8 = arith.constant 0 : index
    tpu.barrier barrier_id(%barrier3A_8)
    %mul3A_9 = arith.constant 10240 : i32
    %mul3A_10 = arith.muli %arg0, %mul3A_9 : i32
    %add3A_11 = arith.addi %mul3A_10, %mul3A_2 : i32
    "tpu.region"() ({
      %run_scoped3A = tpu.sem_alloc : memref<!tpu.dma_semaphore, #tpu.memory_space<semaphore_mem>>
      %dma_start3A = arith.constant 0 : i32
      %dma_start3A_12 = tpu.memref_slice %arg6[%add3A_11, %dma_start3A] : memref<20480x128xf32, #tpu.memory_space<hbm>> -> memref<640x128xf32, #tpu.memory_space<hbm>>
      %dma_start3A_13 = arith.constant 0 : i32
      %dma_start3A_14 = tpu.memref_slice %arg10[%mul3A_2, %dma_start3A_13] : memref<10240x128xf32, #tpu.memory_space<vmem_shared>> -> memref<640x128xf32, #tpu.memory_space<vmem_shared>>
      tpu.enqueue_dma source(%dma_start3A_14 : memref<640x128xf32, #tpu.memory_space<vmem_shared>>) target(%dma_start3A_12 : memref<640x128xf32, #tpu.memory_space<hbm>>) target_semaphore(%run_scoped3A : memref<!tpu.dma_semaphore, #tpu.memory_space<semaphore_mem>>)
      %dma_wait3A = arith.constant 0 : i32
      %dma_wait3A_15 = tpu.memref_slice %arg6[%add3A_11, %dma_wait3A] : memref<20480x128xf32, #tpu.memory_space<hbm>> -> memref<640x128xf32, #tpu.memory_space<hbm>>
      %dma_wait3A_16 = arith.constant 0 : i32
      %dma_wait3A_17 = tpu.memref_slice %arg10[%mul3A_2, %dma_wait3A_16] : memref<10240x128xf32, #tpu.memory_space<vmem_shared>> -> memref<640x128xf32, #tpu.memory_space<vmem_shared>>
      tpu.wait_dma2 semaphore(%run_scoped3A : memref<!tpu.dma_semaphore, #tpu.memory_space<semaphore_mem>>) src(%dma_wait3A_17 : memref<640x128xf32, #tpu.memory_space<vmem_shared>>) dst(%dma_wait3A_15 : memref<640x128xf32, #tpu.memory_space<hbm>>)
      tpu.yield
    }) : () -> ()
    return
  }
}

#map = affine_map<(d0, d1) -> (0, 0, 0)>
#map1 = affine_map<(d0, d1) -> (0, 0)>
module attributes {stable_mosaic.version = 14 : i64} {
  func.func @body(%arg0: i32, %arg1: i32, %arg2: memref<32x125x80xi32, #tpu.memory_space<hbm>>, %arg3: memref<32x125x80xi32, #tpu.memory_space<hbm>>, %arg4: memref<10000x128xf32, #tpu.memory_space<hbm>>, %arg5: memref<10240x128xf32, #tpu.memory_space<hbm>>, %arg6: memref<20480x128xf32, #tpu.memory_space<hbm>>, %arg7: memref<125x80xi32, #tpu.memory_space<vmem>>, %arg8: memref<125x80xi32, #tpu.memory_space<vmem>>, %arg9: memref<80x128xf32, #tpu.memory_space<vmem>>, %arg10: memref<10240x128xf32, #tpu.memory_space<vmem_shared>>, %arg11: memref<!tpu.dma_semaphore, #tpu.memory_space<semaphore_mem>>) attributes {dimension_semantics = [#tpu.dimension_semantics<core_parallel>, #tpu.dimension_semantics<subcore_parallel>], iteration_bounds = array<i64: 2, 16>, scalar_prefetch = 0 : i64, scratch_operands = 5 : i64, tpu.core_type = #tpu.core_type<sc_vector_subcore>, window_params = [{transform_indices = #map}, {transform_indices = #map}, {transform_indices = #map1}, {transform_indices = #map1}, {transform_indices = #map1}]} {
    %mul3A = arith.constant 16 : i32
    %mul3A_0 = arith.muli %arg0, %mul3A : i32
    %add3A = arith.addi %mul3A_0, %arg1 : i32
    %mul3A_1 = arith.constant 640 : i32
    %mul3A_2 = arith.muli %arg1, %mul3A_1 : i32
    "tpu.region"() ({
      %run_scoped3A = tpu.sem_alloc : memref<!tpu.dma_semaphore, #tpu.memory_space<semaphore_mem>>
      %dma_start3A = arith.constant 0 : i32
      %dma_start3A_12 = tpu.memref_slice %arg10[%mul3A_2, %dma_start3A] : memref<10240x128xf32, #tpu.memory_space<vmem_shared>> -> memref<640x128xf32, #tpu.memory_space<vmem_shared>>
      %dma_start3A_13 = arith.constant 0 : i32
      %dma_start3A_14 = tpu.memref_slice %arg5[%mul3A_2, %dma_start3A_13] : memref<10240x128xf32, #tpu.memory_space<hbm>> -> memref<640x128xf32, #tpu.memory_space<hbm>>
      tpu.enqueue_dma source(%dma_start3A_14 : memref<640x128xf32, #tpu.memory_space<hbm>>) target(%dma_start3A_12 : memref<640x128xf32, #tpu.memory_space<vmem_shared>>) target_semaphore(%run_scoped3A : memref<!tpu.dma_semaphore, #tpu.memory_space<semaphore_mem>>)
      %dma_wait3A = arith.constant 0 : i32
      %dma_wait3A_15 = tpu.memref_slice %arg10[%mul3A_2, %dma_wait3A] : memref<10240x128xf32, #tpu.memory_space<vmem_shared>> -> memref<640x128xf32, #tpu.memory_space<vmem_shared>>
      %dma_wait3A_16 = arith.constant 0 : i32
      %dma_wait3A_17 = tpu.memref_slice %arg5[%mul3A_2, %dma_wait3A_16] : memref<10240x128xf32, #tpu.memory_space<hbm>> -> memref<640x128xf32, #tpu.memory_space<hbm>>
      tpu.wait_dma2 semaphore(%run_scoped3A : memref<!tpu.dma_semaphore, #tpu.memory_space<semaphore_mem>>) src(%dma_wait3A_17 : memref<640x128xf32, #tpu.memory_space<hbm>>) dst(%dma_wait3A_15 : memref<640x128xf32, #tpu.memory_space<vmem_shared>>)
      tpu.yield
    }) : () -> ()
    "tpu.region"() ({
      %run_scoped3A = tpu.sem_alloc : memref<!tpu.dma_semaphore, #tpu.memory_space<semaphore_mem>>
      %dma_start3A = arith.constant 0 : i32
      %dma_start3A_12 = arith.constant 0 : i32
      %dma_start3A_13 = tpu.memref_slice %arg2[%add3A, %dma_start3A, %dma_start3A_12] : memref<32x125x80xi32, #tpu.memory_space<hbm>> -> memref<1x125x80xi32, #tpu.memory_space<hbm>>
      %dma_start3A_14 = tpu.memref_squeeze %dma_start3A_13 : memref<1x125x80xi32, #tpu.memory_space<hbm>> -> memref<125x80xi32, #tpu.memory_space<hbm>>
      %dma_start3A_15 = arith.constant 0 : i32
      %dma_start3A_16 = arith.constant 0 : i32
      %dma_start3A_17 = tpu.memref_slice %arg2[%add3A, %dma_start3A_15, %dma_start3A_16] : memref<32x125x80xi32, #tpu.memory_space<hbm>> -> memref<1x125x80xi32, #tpu.memory_space<hbm>>
      %dma_start3A_18 = tpu.memref_squeeze %dma_start3A_17 : memref<1x125x80xi32, #tpu.memory_space<hbm>> -> memref<125x80xi32, #tpu.memory_space<hbm>>
      tpu.enqueue_dma source(%dma_start3A_18 : memref<125x80xi32, #tpu.memory_space<hbm>>) target(%arg7 : memref<125x80xi32, #tpu.memory_space<vmem>>) target_semaphore(%run_scoped3A : memref<!tpu.dma_semaphore, #tpu.memory_space<semaphore_mem>>)
      %dma_wait3A = arith.constant 0 : i32
      %dma_wait3A_19 = arith.constant 0 : i32
      %dma_wait3A_20 = tpu.memref_slice %arg2[%add3A, %dma_wait3A, %dma_wait3A_19] : memref<32x125x80xi32, #tpu.memory_space<hbm>> -> memref<1x125x80xi32, #tpu.memory_space<hbm>>
      %dma_wait3A_21 = tpu.memref_squeeze %dma_wait3A_20 : memref<1x125x80xi32, #tpu.memory_space<hbm>> -> memref<125x80xi32, #tpu.memory_space<hbm>>
      %dma_wait3A_22 = arith.constant 0 : i32
      %dma_wait3A_23 = arith.constant 0 : i32
      %dma_wait3A_24 = tpu.memref_slice %arg2[%add3A, %dma_wait3A_22, %dma_wait3A_23] : memref<32x125x80xi32, #tpu.memory_space<hbm>> -> memref<1x125x80xi32, #tpu.memory_space<hbm>>
      %dma_wait3A_25 = tpu.memref_squeeze %dma_wait3A_24 : memref<1x125x80xi32, #tpu.memory_space<hbm>> -> memref<125x80xi32, #tpu.memory_space<hbm>>
      tpu.wait_dma2 semaphore(%run_scoped3A : memref<!tpu.dma_semaphore, #tpu.memory_space<semaphore_mem>>) src(%dma_wait3A_25 : memref<125x80xi32, #tpu.memory_space<hbm>>) dst(%arg7 : memref<125x80xi32, #tpu.memory_space<vmem>>)
      tpu.yield
    }) : () -> ()
    "tpu.region"() ({
      %run_scoped3A = tpu.sem_alloc : memref<!tpu.dma_semaphore, #tpu.memory_space<semaphore_mem>>
      %dma_start3A = arith.constant 0 : i32
      %dma_start3A_12 = arith.constant 0 : i32
      %dma_start3A_13 = tpu.memref_slice %arg3[%add3A, %dma_start3A, %dma_start3A_12] : memref<32x125x80xi32, #tpu.memory_space<hbm>> -> memref<1x125x80xi32, #tpu.memory_space<hbm>>
      %dma_start3A_14 = tpu.memref_squeeze %dma_start3A_13 : memref<1x125x80xi32, #tpu.memory_space<hbm>> -> memref<125x80xi32, #tpu.memory_space<hbm>>
      %dma_start3A_15 = arith.constant 0 : i32
      %dma_start3A_16 = arith.constant 0 : i32
      %dma_start3A_17 = tpu.memref_slice %arg3[%add3A, %dma_start3A_15, %dma_start3A_16] : memref<32x125x80xi32, #tpu.memory_space<hbm>> -> memref<1x125x80xi32, #tpu.memory_space<hbm>>
      %dma_start3A_18 = tpu.memref_squeeze %dma_start3A_17 : memref<1x125x80xi32, #tpu.memory_space<hbm>> -> memref<125x80xi32, #tpu.memory_space<hbm>>
      tpu.enqueue_dma source(%dma_start3A_18 : memref<125x80xi32, #tpu.memory_space<hbm>>) target(%arg8 : memref<125x80xi32, #tpu.memory_space<vmem>>) target_semaphore(%run_scoped3A : memref<!tpu.dma_semaphore, #tpu.memory_space<semaphore_mem>>)
      %dma_wait3A = arith.constant 0 : i32
      %dma_wait3A_19 = arith.constant 0 : i32
      %dma_wait3A_20 = tpu.memref_slice %arg3[%add3A, %dma_wait3A, %dma_wait3A_19] : memref<32x125x80xi32, #tpu.memory_space<hbm>> -> memref<1x125x80xi32, #tpu.memory_space<hbm>>
      %dma_wait3A_21 = tpu.memref_squeeze %dma_wait3A_20 : memref<1x125x80xi32, #tpu.memory_space<hbm>> -> memref<125x80xi32, #tpu.memory_space<hbm>>
      %dma_wait3A_22 = arith.constant 0 : i32
      %dma_wait3A_23 = arith.constant 0 : i32
      %dma_wait3A_24 = tpu.memref_slice %arg3[%add3A, %dma_wait3A_22, %dma_wait3A_23] : memref<32x125x80xi32, #tpu.memory_space<hbm>> -> memref<1x125x80xi32, #tpu.memory_space<hbm>>
      %dma_wait3A_25 = tpu.memref_squeeze %dma_wait3A_24 : memref<1x125x80xi32, #tpu.memory_space<hbm>> -> memref<125x80xi32, #tpu.memory_space<hbm>>
      tpu.wait_dma2 semaphore(%run_scoped3A : memref<!tpu.dma_semaphore, #tpu.memory_space<semaphore_mem>>) src(%dma_wait3A_25 : memref<125x80xi32, #tpu.memory_space<hbm>>) dst(%arg8 : memref<125x80xi32, #tpu.memory_space<vmem>>)
      tpu.yield
    }) : () -> ()
    %barrier3A = arith.constant 0 : index
    tpu.barrier barrier_id(%barrier3A)
    %scan3A = arith.constant 0 : i32
    %scan3A_3 = arith.constant 0 : i32
    %scan3A_4 = arith.constant 125 : i32
    %scan3A_5 = arith.addi %scan3A_3, %scan3A_4 : i32
    %scan3A_6 = arith.constant 1 : i32
    scf.for %scan3A_12 = %scan3A_3 to %scan3A_5 step %scan3A_6  : i32 {
      %dma_start3A = arith.constant 0 : i32
      %dma_start3A_13 = tpu.memref_slice %arg7[%scan3A_12, %dma_start3A] : memref<125x80xi32, #tpu.memory_space<vmem>> -> memref<1x80xi32, #tpu.memory_space<vmem>>
      %dma_start3A_14 = tpu.memref_squeeze %dma_start3A_13 : memref<1x80xi32, #tpu.memory_space<vmem>> -> memref<80xi32, #tpu.memory_space<vmem>>
      %dma_start3A_15 = arith.constant 0 : i32
      %dma_start3A_16 = arith.constant 0 : i32
      %dma_start3A_17 = tpu.memref_slice %arg4[%dma_start3A_15, %dma_start3A_16] : memref<10000x128xf32, #tpu.memory_space<hbm>> -> memref<10000x128xf32, #tpu.memory_space<hbm>>
      tpu.enqueue_indirect_dma source(%dma_start3A_17 : memref<10000x128xf32, #tpu.memory_space<hbm>>) target(%arg9 : memref<80x128xf32, #tpu.memory_space<vmem>>) offsets(%dma_start3A_14 : memref<80xi32, #tpu.memory_space<vmem>>) semaphore(%arg11 : memref<!tpu.dma_semaphore, #tpu.memory_space<semaphore_mem>>)
      %dma_wait3A = arith.constant 0 : i32
      %dma_wait3A_18 = tpu.memref_slice %arg7[%scan3A_12, %dma_wait3A] : memref<125x80xi32, #tpu.memory_space<vmem>> -> memref<1x80xi32, #tpu.memory_space<vmem>>
      %dma_wait3A_19 = tpu.memref_squeeze %dma_wait3A_18 : memref<1x80xi32, #tpu.memory_space<vmem>> -> memref<80xi32, #tpu.memory_space<vmem>>
      %dma_wait3A_20 = arith.constant 0 : i32
      %dma_wait3A_21 = arith.constant 0 : i32
      %dma_wait3A_22 = tpu.memref_slice %arg4[%dma_wait3A_20, %dma_wait3A_21] : memref<10000x128xf32, #tpu.memory_space<hbm>> -> memref<10000x128xf32, #tpu.memory_space<hbm>>
      tpu.wait_indirect_dma semaphore(%arg11 : memref<!tpu.dma_semaphore, #tpu.memory_space<semaphore_mem>>) src(%dma_wait3A_22 : memref<10000x128xf32, #tpu.memory_space<hbm>>) dst(%arg9 : memref<80x128xf32, #tpu.memory_space<vmem>>)
      "tpu.region"() ({
        %run_scoped3A = tpu.sem_alloc : memref<!tpu.dma_semaphore, #tpu.memory_space<semaphore_mem>>
        %dma_start3A_23 = arith.constant 0 : i32
        %dma_start3A_24 = tpu.memref_slice %arg8[%scan3A_12, %dma_start3A_23] : memref<125x80xi32, #tpu.memory_space<vmem>> -> memref<1x80xi32, #tpu.memory_space<vmem>>
        %dma_start3A_25 = tpu.memref_squeeze %dma_start3A_24 : memref<1x80xi32, #tpu.memory_space<vmem>> -> memref<80xi32, #tpu.memory_space<vmem>>
        %dma_start3A_26 = arith.constant 0 : i32
        %dma_start3A_27 = arith.constant 0 : i32
        %dma_start3A_28 = tpu.memref_slice %arg10[%dma_start3A_26, %dma_start3A_27] : memref<10240x128xf32, #tpu.memory_space<vmem_shared>> -> memref<10240x128xf32, #tpu.memory_space<vmem_shared>>
        tpu.enqueue_indirect_dma source(%arg9 : memref<80x128xf32, #tpu.memory_space<vmem>>) target(%dma_start3A_28 : memref<10240x128xf32, #tpu.memory_space<vmem_shared>>) offsets(%dma_start3A_25 : memref<80xi32, #tpu.memory_space<vmem>>) semaphore(%run_scoped3A : memref<!tpu.dma_semaphore, #tpu.memory_space<semaphore_mem>>) {add = true}
        %dma_wait3A_29 = arith.constant 0 : i32
        %dma_wait3A_30 = tpu.memref_slice %arg8[%scan3A_12, %dma_wait3A_29] : memref<125x80xi32, #tpu.memory_space<vmem>> -> memref<1x80xi32, #tpu.memory_space<vmem>>
        %dma_wait3A_31 = tpu.memref_squeeze %dma_wait3A_30 : memref<1x80xi32, #tpu.memory_space<vmem>> -> memref<80xi32, #tpu.memory_space<vmem>>
        %dma_wait3A_32 = arith.constant 0 : i32
        %dma_wait3A_33 = arith.constant 0 : i32
        %dma_wait3A_34 = tpu.memref_slice %arg10[%dma_wait3A_32, %dma_wait3A_33] : memref<10240x128xf32, #tpu.memory_space<vmem_shared>> -> memref<10240x128xf32, #tpu.memory_space<vmem_shared>>
        tpu.wait_indirect_dma semaphore(%run_scoped3A : memref<!tpu.dma_semaphore, #tpu.memory_space<semaphore_mem>>) src(%arg9 : memref<80x128xf32, #tpu.memory_space<vmem>>) dst(%dma_wait3A_34 : memref<10240x128xf32, #tpu.memory_space<vmem_shared>>)
        tpu.yield
      }) : () -> ()
    }
    %scan3A_7 = arith.constant 125 : i32
    %barrier3A_8 = arith.constant 0 : index
    tpu.barrier barrier_id(%barrier3A_8)
    %mul3A_9 = arith.constant 10240 : i32
    %mul3A_10 = arith.muli %arg0, %mul3A_9 : i32
    %add3A_11 = arith.addi %mul3A_10, %mul3A_2 : i32
    "tpu.region"() ({
      %run_scoped3A = tpu.sem_alloc : memref<!tpu.dma_semaphore, #tpu.memory_space<semaphore_mem>>
      %dma_start3A = arith.constant 0 : i32
      %dma_start3A_12 = tpu.memref_slice %arg6[%add3A_11, %dma_start3A] : memref<20480x128xf32, #tpu.memory_space<hbm>> -> memref<640x128xf32, #tpu.memory_space<hbm>>
      %dma_start3A_13 = arith.constant 0 : i32
      %dma_start3A_14 = tpu.memref_slice %arg10[%mul3A_2, %dma_start3A_13] : memref<10240x128xf32, #tpu.memory_space<vmem_shared>> -> memref<640x128xf32, #tpu.memory_space<vmem_shared>>
      tpu.enqueue_dma source(%dma_start3A_14 : memref<640x128xf32, #tpu.memory_space<vmem_shared>>) target(%dma_start3A_12 : memref<640x128xf32, #tpu.memory_space<hbm>>) target_semaphore(%run_scoped3A : memref<!tpu.dma_semaphore, #tpu.memory_space<semaphore_mem>>)
      %dma_wait3A = arith.constant 0 : i32
      %dma_wait3A_15 = tpu.memref_slice %arg6[%add3A_11, %dma_wait3A] : memref<20480x128xf32, #tpu.memory_space<hbm>> -> memref<640x128xf32, #tpu.memory_space<hbm>>
      %dma_wait3A_16 = arith.constant 0 : i32
      %dma_wait3A_17 = tpu.memref_slice %arg10[%mul3A_2, %dma_wait3A_16] : memref<10240x128xf32, #tpu.memory_space<vmem_shared>> -> memref<640x128xf32, #tpu.memory_space<vmem_shared>>
      tpu.wait_dma2 semaphore(%run_scoped3A : memref<!tpu.dma_semaphore, #tpu.memory_space<semaphore_mem>>) src(%dma_wait3A_17 : memref<640x128xf32, #tpu.memory_space<vmem_shared>>) dst(%dma_wait3A_15 : memref<640x128xf32, #tpu.memory_space<hbm>>)
      tpu.yield
    }) : () -> ()
    return
  }
}

#map = affine_map<(d0, d1) -> (0, 0, 0)>
#map1 = affine_map<(d0, d1) -> (0)>
#map2 = affine_map<(d0, d1) -> (0, 0)>
module attributes {stable_mosaic.version = 14 : i64} {
  func.func @body(%arg0: i32, %arg1: i32, %arg2: memref<32x125x80xi32, #tpu.memory_space<hbm>>, %arg3: memref<80xf32, #tpu.memory_space<hbm>>, %arg4: memref<10000xf32, #tpu.memory_space<hbm>>, %arg5: memref<2x10000xf32, #tpu.memory_space<hbm>>, %arg6: memref<125x80xi32, #tpu.memory_space<vmem>>, %arg7: memref<80xf32, #tpu.memory_space<vmem>>, %arg8: memref<10000xf32, #tpu.memory_space<vmem_shared>>) attributes {dimension_semantics = [#tpu.dimension_semantics<core_parallel>, #tpu.dimension_semantics<subcore_parallel>], iteration_bounds = array<i64: 2, 16>, scalar_prefetch = 0 : i64, scratch_operands = 3 : i64, tpu.core_type = #tpu.core_type<sc_vector_subcore>, window_params = [{transform_indices = #map}, {transform_indices = #map1}, {transform_indices = #map1}, {transform_indices = #map2}]} {
    %mul3A = arith.constant 16 : i32
    %mul3A_0 = arith.muli %arg0, %mul3A : i32
    %add3A = arith.addi %mul3A_0, %arg1 : i32
    "tpu.region"() ({
      %run_scoped3A = tpu.sem_alloc : memref<!tpu.dma_semaphore, #tpu.memory_space<semaphore_mem>>
      %dma_start3A = arith.constant 0 : i32
      %dma_start3A_14 = arith.constant 0 : i32
      %dma_start3A_15 = tpu.memref_slice %arg2[%add3A, %dma_start3A, %dma_start3A_14] : memref<32x125x80xi32, #tpu.memory_space<hbm>> -> memref<1x125x80xi32, #tpu.memory_space<hbm>>
      %dma_start3A_16 = tpu.memref_squeeze %dma_start3A_15 : memref<1x125x80xi32, #tpu.memory_space<hbm>> -> memref<125x80xi32, #tpu.memory_space<hbm>>
      %dma_start3A_17 = arith.constant 0 : i32
      %dma_start3A_18 = arith.constant 0 : i32
      %dma_start3A_19 = tpu.memref_slice %arg2[%add3A, %dma_start3A_17, %dma_start3A_18] : memref<32x125x80xi32, #tpu.memory_space<hbm>> -> memref<1x125x80xi32, #tpu.memory_space<hbm>>
      %dma_start3A_20 = tpu.memref_squeeze %dma_start3A_19 : memref<1x125x80xi32, #tpu.memory_space<hbm>> -> memref<125x80xi32, #tpu.memory_space<hbm>>
      tpu.enqueue_dma source(%dma_start3A_20 : memref<125x80xi32, #tpu.memory_space<hbm>>) target(%arg6 : memref<125x80xi32, #tpu.memory_space<vmem>>) target_semaphore(%run_scoped3A : memref<!tpu.dma_semaphore, #tpu.memory_space<semaphore_mem>>)
      %dma_wait3A = arith.constant 0 : i32
      %dma_wait3A_21 = arith.constant 0 : i32
      %dma_wait3A_22 = tpu.memref_slice %arg2[%add3A, %dma_wait3A, %dma_wait3A_21] : memref<32x125x80xi32, #tpu.memory_space<hbm>> -> memref<1x125x80xi32, #tpu.memory_space<hbm>>
      %dma_wait3A_23 = tpu.memref_squeeze %dma_wait3A_22 : memref<1x125x80xi32, #tpu.memory_space<hbm>> -> memref<125x80xi32, #tpu.memory_space<hbm>>
      %dma_wait3A_24 = arith.constant 0 : i32
      %dma_wait3A_25 = arith.constant 0 : i32
      %dma_wait3A_26 = tpu.memref_slice %arg2[%add3A, %dma_wait3A_24, %dma_wait3A_25] : memref<32x125x80xi32, #tpu.memory_space<hbm>> -> memref<1x125x80xi32, #tpu.memory_space<hbm>>
      %dma_wait3A_27 = tpu.memref_squeeze %dma_wait3A_26 : memref<1x125x80xi32, #tpu.memory_space<hbm>> -> memref<125x80xi32, #tpu.memory_space<hbm>>
      tpu.wait_dma2 semaphore(%run_scoped3A : memref<!tpu.dma_semaphore, #tpu.memory_space<semaphore_mem>>) src(%dma_wait3A_27 : memref<125x80xi32, #tpu.memory_space<hbm>>) dst(%arg6 : memref<125x80xi32, #tpu.memory_space<vmem>>)
      tpu.yield
    }) : () -> ()
    "tpu.region"() ({
      %run_scoped3A = tpu.sem_alloc : memref<!tpu.dma_semaphore, #tpu.memory_space<semaphore_mem>>
      tpu.enqueue_dma source(%arg3 : memref<80xf32, #tpu.memory_space<hbm>>) target(%arg7 : memref<80xf32, #tpu.memory_space<vmem>>) target_semaphore(%run_scoped3A : memref<!tpu.dma_semaphore, #tpu.memory_space<semaphore_mem>>)
      tpu.wait_dma2 semaphore(%run_scoped3A : memref<!tpu.dma_semaphore, #tpu.memory_space<semaphore_mem>>) src(%arg3 : memref<80xf32, #tpu.memory_space<hbm>>) dst(%arg7 : memref<80xf32, #tpu.memory_space<vmem>>)
      tpu.yield
    }) : () -> ()
    %eq3A = arith.constant 0 : i32
    %eq3A_1 = arith.cmpi eq, %arg1, %eq3A : i32
    %convert_element_type3A = arith.extui %eq3A_1 : i1 to i32
    %cond3A = arith.constant 0 : i32
    %cond3A_2 = arith.cmpi ne, %convert_element_type3A, %cond3A : i32
    scf.if %cond3A_2 {
      "tpu.region"() ({
        %run_scoped3A = tpu.sem_alloc : memref<!tpu.dma_semaphore, #tpu.memory_space<semaphore_mem>>
        tpu.enqueue_dma source(%arg4 : memref<10000xf32, #tpu.memory_space<hbm>>) target(%arg8 : memref<10000xf32, #tpu.memory_space<vmem_shared>>) target_semaphore(%run_scoped3A : memref<!tpu.dma_semaphore, #tpu.memory_space<semaphore_mem>>)
        tpu.wait_dma2 semaphore(%run_scoped3A : memref<!tpu.dma_semaphore, #tpu.memory_space<semaphore_mem>>) src(%arg4 : memref<10000xf32, #tpu.memory_space<hbm>>) dst(%arg8 : memref<10000xf32, #tpu.memory_space<vmem_shared>>)
        tpu.yield
      }) : () -> ()
    } else {
    }
    %barrier3A = arith.constant 0 : index
    tpu.barrier barrier_id(%barrier3A)
    %scan3A = arith.constant 0 : i32
    %scan3A_3 = arith.constant 0 : i32
    %scan3A_4 = arith.constant 125 : i32
    %scan3A_5 = arith.addi %scan3A_3, %scan3A_4 : i32
    %scan3A_6 = arith.constant 1 : i32
    scf.for %scan3A_14 = %scan3A_3 to %scan3A_5 step %scan3A_6  : i32 {
      "tpu.region"() ({
        %run_scoped3A = tpu.sem_alloc : memref<!tpu.dma_semaphore, #tpu.memory_space<semaphore_mem>>
        %dma_start3A = arith.constant 0 : i32
        %dma_start3A_15 = tpu.memref_slice %arg6[%scan3A_14, %dma_start3A] : memref<125x80xi32, #tpu.memory_space<vmem>> -> memref<1x80xi32, #tpu.memory_space<vmem>>
        %dma_start3A_16 = tpu.memref_squeeze %dma_start3A_15 : memref<1x80xi32, #tpu.memory_space<vmem>> -> memref<80xi32, #tpu.memory_space<vmem>>
        %dma_start3A_17 = arith.constant 0 : i32
        %dma_start3A_18 = tpu.memref_slice %arg8[%dma_start3A_17] : memref<10000xf32, #tpu.memory_space<vmem_shared>> -> memref<10000xf32, #tpu.memory_space<vmem_shared>>
        tpu.enqueue_indirect_dma source(%arg7 : memref<80xf32, #tpu.memory_space<vmem>>) target(%dma_start3A_18 : memref<10000xf32, #tpu.memory_space<vmem_shared>>) offsets(%dma_start3A_16 : memref<80xi32, #tpu.memory_space<vmem>>) semaphore(%run_scoped3A : memref<!tpu.dma_semaphore, #tpu.memory_space<semaphore_mem>>) {add = true}
        %dma_wait3A = arith.constant 0 : i32
        %dma_wait3A_19 = tpu.memref_slice %arg6[%scan3A_14, %dma_wait3A] : memref<125x80xi32, #tpu.memory_space<vmem>> -> memref<1x80xi32, #tpu.memory_space<vmem>>
        %dma_wait3A_20 = tpu.memref_squeeze %dma_wait3A_19 : memref<1x80xi32, #tpu.memory_space<vmem>> -> memref<80xi32, #tpu.memory_space<vmem>>
        %dma_wait3A_21 = arith.constant 0 : i32
        %dma_wait3A_22 = tpu.memref_slice %arg8[%dma_wait3A_21] : memref<10000xf32, #tpu.memory_space<vmem_shared>> -> memref<10000xf32, #tpu.memory_space<vmem_shared>>
        tpu.wait_indirect_dma semaphore(%run_scoped3A : memref<!tpu.dma_semaphore, #tpu.memory_space<semaphore_mem>>) src(%arg7 : memref<80xf32, #tpu.memory_space<vmem>>) dst(%dma_wait3A_22 : memref<10000xf32, #tpu.memory_space<vmem_shared>>)
        tpu.yield
      }) : () -> ()
    }
    %scan3A_7 = arith.constant 125 : i32
    %barrier3A_8 = arith.constant 0 : index
    tpu.barrier barrier_id(%barrier3A_8)
    %eq3A_9 = arith.constant 0 : i32
    %eq3A_10 = arith.cmpi eq, %arg1, %eq3A_9 : i32
    %convert_element_type3A_11 = arith.extui %eq3A_10 : i1 to i32
    %cond3A_12 = arith.constant 0 : i32
    %cond3A_13 = arith.cmpi ne, %convert_element_type3A_11, %cond3A_12 : i32
    scf.if %cond3A_13 {
      "tpu.region"() ({
        %run_scoped3A = tpu.sem_alloc : memref<!tpu.dma_semaphore, #tpu.memory_space<semaphore_mem>>
        %dma_start3A = arith.constant 0 : i32
        %dma_start3A_14 = tpu.memref_slice %arg5[%arg0, %dma_start3A] : memref<2x10000xf32, #tpu.memory_space<hbm>> -> memref<1x10000xf32, #tpu.memory_space<hbm>>
        %dma_start3A_15 = tpu.memref_squeeze %dma_start3A_14 : memref<1x10000xf32, #tpu.memory_space<hbm>> -> memref<10000xf32, #tpu.memory_space<hbm>>
        tpu.enqueue_dma source(%arg8 : memref<10000xf32, #tpu.memory_space<vmem_shared>>) target(%dma_start3A_15 : memref<10000xf32, #tpu.memory_space<hbm>>) target_semaphore(%run_scoped3A : memref<!tpu.dma_semaphore, #tpu.memory_space<semaphore_mem>>)
        %dma_wait3A = arith.constant 0 : i32
        %dma_wait3A_16 = tpu.memref_slice %arg5[%arg0, %dma_wait3A] : memref<2x10000xf32, #tpu.memory_space<hbm>> -> memref<1x10000xf32, #tpu.memory_space<hbm>>
        %dma_wait3A_17 = tpu.memref_squeeze %dma_wait3A_16 : memref<1x10000xf32, #tpu.memory_space<hbm>> -> memref<10000xf32, #tpu.memory_space<hbm>>
        tpu.wait_dma2 semaphore(%run_scoped3A : memref<!tpu.dma_semaphore, #tpu.memory_space<semaphore_mem>>) src(%arg8 : memref<10000xf32, #tpu.memory_space<vmem_shared>>) dst(%dma_wait3A_17 : memref<10000xf32, #tpu.memory_space<hbm>>)
        tpu.yield
      }) : () -> ()
    } else {
    }
    return
  }
}

#map = affine_map<(d0, d1) -> (0, 0, 0)>
#map1 = affine_map<(d0, d1) -> (0, 0)>
module attributes {stable_mosaic.version = 14 : i64} {
  func.func @body(%arg0: i32, %arg1: i32, %arg2: memref<32x125x80xi32, #tpu.memory_space<hbm>>, %arg3: memref<32x125x80xi32, #tpu.memory_space<hbm>>, %arg4: memref<10000x128xf32, #tpu.memory_space<hbm>>, %arg5: memref<10240x128xf32, #tpu.memory_space<hbm>>, %arg6: memref<20480x128xf32, #tpu.memory_space<hbm>>, %arg7: memref<125x80xi32, #tpu.memory_space<vmem>>, %arg8: memref<125x80xi32, #tpu.memory_space<vmem>>, %arg9: memref<80x128xf32, #tpu.memory_space<vmem>>, %arg10: memref<10240x128xf32, #tpu.memory_space<vmem_shared>>, %arg11: memref<!tpu.dma_semaphore, #tpu.memory_space<semaphore_mem>>) attributes {dimension_semantics = [#tpu.dimension_semantics<core_parallel>, #tpu.dimension_semantics<subcore_parallel>], iteration_bounds = array<i64: 2, 16>, scalar_prefetch = 0 : i64, scratch_operands = 5 : i64, tpu.core_type = #tpu.core_type<sc_vector_subcore>, window_params = [{transform_indices = #map}, {transform_indices = #map}, {transform_indices = #map1}, {transform_indices = #map1}, {transform_indices = #map1}]} {
    %mul3A = arith.constant 16 : i32
    %mul3A_0 = arith.muli %arg0, %mul3A : i32
    %add3A = arith.addi %mul3A_0, %arg1 : i32
    %mul3A_1 = arith.constant 640 : i32
    %mul3A_2 = arith.muli %arg1, %mul3A_1 : i32
    "tpu.region"() ({
      %run_scoped3A = tpu.sem_alloc : memref<!tpu.dma_semaphore, #tpu.memory_space<semaphore_mem>>
      %dma_start3A = arith.constant 0 : i32
      %dma_start3A_12 = tpu.memref_slice %arg10[%mul3A_2, %dma_start3A] : memref<10240x128xf32, #tpu.memory_space<vmem_shared>> -> memref<640x128xf32, #tpu.memory_space<vmem_shared>>
      %dma_start3A_13 = arith.constant 0 : i32
      %dma_start3A_14 = tpu.memref_slice %arg5[%mul3A_2, %dma_start3A_13] : memref<10240x128xf32, #tpu.memory_space<hbm>> -> memref<640x128xf32, #tpu.memory_space<hbm>>
      tpu.enqueue_dma source(%dma_start3A_14 : memref<640x128xf32, #tpu.memory_space<hbm>>) target(%dma_start3A_12 : memref<640x128xf32, #tpu.memory_space<vmem_shared>>) target_semaphore(%run_scoped3A : memref<!tpu.dma_semaphore, #tpu.memory_space<semaphore_mem>>)
      %dma_wait3A = arith.constant 0 : i32
      %dma_wait3A_15 = tpu.memref_slice %arg10[%mul3A_2, %dma_wait3A] : memref<10240x128xf32, #tpu.memory_space<vmem_shared>> -> memref<640x128xf32, #tpu.memory_space<vmem_shared>>
      %dma_wait3A_16 = arith.constant 0 : i32
      %dma_wait3A_17 = tpu.memref_slice %arg5[%mul3A_2, %dma_wait3A_16] : memref<10240x128xf32, #tpu.memory_space<hbm>> -> memref<640x128xf32, #tpu.memory_space<hbm>>
      tpu.wait_dma2 semaphore(%run_scoped3A : memref<!tpu.dma_semaphore, #tpu.memory_space<semaphore_mem>>) src(%dma_wait3A_17 : memref<640x128xf32, #tpu.memory_space<hbm>>) dst(%dma_wait3A_15 : memref<640x128xf32, #tpu.memory_space<vmem_shared>>)
      tpu.yield
    }) : () -> ()
    "tpu.region"() ({
      %run_scoped3A = tpu.sem_alloc : memref<!tpu.dma_semaphore, #tpu.memory_space<semaphore_mem>>
      %dma_start3A = arith.constant 0 : i32
      %dma_start3A_12 = arith.constant 0 : i32
      %dma_start3A_13 = tpu.memref_slice %arg2[%add3A, %dma_start3A, %dma_start3A_12] : memref<32x125x80xi32, #tpu.memory_space<hbm>> -> memref<1x125x80xi32, #tpu.memory_space<hbm>>
      %dma_start3A_14 = tpu.memref_squeeze %dma_start3A_13 : memref<1x125x80xi32, #tpu.memory_space<hbm>> -> memref<125x80xi32, #tpu.memory_space<hbm>>
      %dma_start3A_15 = arith.constant 0 : i32
      %dma_start3A_16 = arith.constant 0 : i32
      %dma_start3A_17 = tpu.memref_slice %arg2[%add3A, %dma_start3A_15, %dma_start3A_16] : memref<32x125x80xi32, #tpu.memory_space<hbm>> -> memref<1x125x80xi32, #tpu.memory_space<hbm>>
      %dma_start3A_18 = tpu.memref_squeeze %dma_start3A_17 : memref<1x125x80xi32, #tpu.memory_space<hbm>> -> memref<125x80xi32, #tpu.memory_space<hbm>>
      tpu.enqueue_dma source(%dma_start3A_18 : memref<125x80xi32, #tpu.memory_space<hbm>>) target(%arg7 : memref<125x80xi32, #tpu.memory_space<vmem>>) target_semaphore(%run_scoped3A : memref<!tpu.dma_semaphore, #tpu.memory_space<semaphore_mem>>)
      %dma_wait3A = arith.constant 0 : i32
      %dma_wait3A_19 = arith.constant 0 : i32
      %dma_wait3A_20 = tpu.memref_slice %arg2[%add3A, %dma_wait3A, %dma_wait3A_19] : memref<32x125x80xi32, #tpu.memory_space<hbm>> -> memref<1x125x80xi32, #tpu.memory_space<hbm>>
      %dma_wait3A_21 = tpu.memref_squeeze %dma_wait3A_20 : memref<1x125x80xi32, #tpu.memory_space<hbm>> -> memref<125x80xi32, #tpu.memory_space<hbm>>
      %dma_wait3A_22 = arith.constant 0 : i32
      %dma_wait3A_23 = arith.constant 0 : i32
      %dma_wait3A_24 = tpu.memref_slice %arg2[%add3A, %dma_wait3A_22, %dma_wait3A_23] : memref<32x125x80xi32, #tpu.memory_space<hbm>> -> memref<1x125x80xi32, #tpu.memory_space<hbm>>
      %dma_wait3A_25 = tpu.memref_squeeze %dma_wait3A_24 : memref<1x125x80xi32, #tpu.memory_space<hbm>> -> memref<125x80xi32, #tpu.memory_space<hbm>>
      tpu.wait_dma2 semaphore(%run_scoped3A : memref<!tpu.dma_semaphore, #tpu.memory_space<semaphore_mem>>) src(%dma_wait3A_25 : memref<125x80xi32, #tpu.memory_space<hbm>>) dst(%arg7 : memref<125x80xi32, #tpu.memory_space<vmem>>)
      tpu.yield
    }) : () -> ()
    "tpu.region"() ({
      %run_scoped3A = tpu.sem_alloc : memref<!tpu.dma_semaphore, #tpu.memory_space<semaphore_mem>>
      %dma_start3A = arith.constant 0 : i32
      %dma_start3A_12 = arith.constant 0 : i32
      %dma_start3A_13 = tpu.memref_slice %arg3[%add3A, %dma_start3A, %dma_start3A_12] : memref<32x125x80xi32, #tpu.memory_space<hbm>> -> memref<1x125x80xi32, #tpu.memory_space<hbm>>
      %dma_start3A_14 = tpu.memref_squeeze %dma_start3A_13 : memref<1x125x80xi32, #tpu.memory_space<hbm>> -> memref<125x80xi32, #tpu.memory_space<hbm>>
      %dma_start3A_15 = arith.constant 0 : i32
      %dma_start3A_16 = arith.constant 0 : i32
      %dma_start3A_17 = tpu.memref_slice %arg3[%add3A, %dma_start3A_15, %dma_start3A_16] : memref<32x125x80xi32, #tpu.memory_space<hbm>> -> memref<1x125x80xi32, #tpu.memory_space<hbm>>
      %dma_start3A_18 = tpu.memref_squeeze %dma_start3A_17 : memref<1x125x80xi32, #tpu.memory_space<hbm>> -> memref<125x80xi32, #tpu.memory_space<hbm>>
      tpu.enqueue_dma source(%dma_start3A_18 : memref<125x80xi32, #tpu.memory_space<hbm>>) target(%arg8 : memref<125x80xi32, #tpu.memory_space<vmem>>) target_semaphore(%run_scoped3A : memref<!tpu.dma_semaphore, #tpu.memory_space<semaphore_mem>>)
      %dma_wait3A = arith.constant 0 : i32
      %dma_wait3A_19 = arith.constant 0 : i32
      %dma_wait3A_20 = tpu.memref_slice %arg3[%add3A, %dma_wait3A, %dma_wait3A_19] : memref<32x125x80xi32, #tpu.memory_space<hbm>> -> memref<1x125x80xi32, #tpu.memory_space<hbm>>
      %dma_wait3A_21 = tpu.memref_squeeze %dma_wait3A_20 : memref<1x125x80xi32, #tpu.memory_space<hbm>> -> memref<125x80xi32, #tpu.memory_space<hbm>>
      %dma_wait3A_22 = arith.constant 0 : i32
      %dma_wait3A_23 = arith.constant 0 : i32
      %dma_wait3A_24 = tpu.memref_slice %arg3[%add3A, %dma_wait3A_22, %dma_wait3A_23] : memref<32x125x80xi32, #tpu.memory_space<hbm>> -> memref<1x125x80xi32, #tpu.memory_space<hbm>>
      %dma_wait3A_25 = tpu.memref_squeeze %dma_wait3A_24 : memref<1x125x80xi32, #tpu.memory_space<hbm>> -> memref<125x80xi32, #tpu.memory_space<hbm>>
      tpu.wait_dma2 semaphore(%run_scoped3A : memref<!tpu.dma_semaphore, #tpu.memory_space<semaphore_mem>>) src(%dma_wait3A_25 : memref<125x80xi32, #tpu.memory_space<hbm>>) dst(%arg8 : memref<125x80xi32, #tpu.memory_space<vmem>>)
      tpu.yield
    }) : () -> ()
    %barrier3A = arith.constant 0 : index
    tpu.barrier barrier_id(%barrier3A)
    %scan3A = arith.constant 0 : i32
    %scan3A_3 = arith.constant 0 : i32
    %scan3A_4 = arith.constant 125 : i32
    %scan3A_5 = arith.addi %scan3A_3, %scan3A_4 : i32
    %scan3A_6 = arith.constant 1 : i32
    scf.for %scan3A_12 = %scan3A_3 to %scan3A_5 step %scan3A_6  : i32 {
      %dma_start3A = arith.constant 0 : i32
      %dma_start3A_13 = tpu.memref_slice %arg7[%scan3A_12, %dma_start3A] : memref<125x80xi32, #tpu.memory_space<vmem>> -> memref<1x80xi32, #tpu.memory_space<vmem>>
      %dma_start3A_14 = tpu.memref_squeeze %dma_start3A_13 : memref<1x80xi32, #tpu.memory_space<vmem>> -> memref<80xi32, #tpu.memory_space<vmem>>
      %dma_start3A_15 = arith.constant 0 : i32
      %dma_start3A_16 = arith.constant 0 : i32
      %dma_start3A_17 = tpu.memref_slice %arg4[%dma_start3A_15, %dma_start3A_16] : memref<10000x128xf32, #tpu.memory_space<hbm>> -> memref<10000x128xf32, #tpu.memory_space<hbm>>
      tpu.enqueue_indirect_dma source(%dma_start3A_17 : memref<10000x128xf32, #tpu.memory_space<hbm>>) target(%arg9 : memref<80x128xf32, #tpu.memory_space<vmem>>) offsets(%dma_start3A_14 : memref<80xi32, #tpu.memory_space<vmem>>) semaphore(%arg11 : memref<!tpu.dma_semaphore, #tpu.memory_space<semaphore_mem>>)
      %dma_wait3A = arith.constant 0 : i32
      %dma_wait3A_18 = tpu.memref_slice %arg7[%scan3A_12, %dma_wait3A] : memref<125x80xi32, #tpu.memory_space<vmem>> -> memref<1x80xi32, #tpu.memory_space<vmem>>
      %dma_wait3A_19 = tpu.memref_squeeze %dma_wait3A_18 : memref<1x80xi32, #tpu.memory_space<vmem>> -> memref<80xi32, #tpu.memory_space<vmem>>
      %dma_wait3A_20 = arith.constant 0 : i32
      %dma_wait3A_21 = arith.constant 0 : i32
      %dma_wait3A_22 = tpu.memref_slice %arg4[%dma_wait3A_20, %dma_wait3A_21] : memref<10000x128xf32, #tpu.memory_space<hbm>> -> memref<10000x128xf32, #tpu.memory_space<hbm>>
      tpu.wait_indirect_dma semaphore(%arg11 : memref<!tpu.dma_semaphore, #tpu.memory_space<semaphore_mem>>) src(%dma_wait3A_22 : memref<10000x128xf32, #tpu.memory_space<hbm>>) dst(%arg9 : memref<80x128xf32, #tpu.memory_space<vmem>>)
      "tpu.region"() ({
        %run_scoped3A = tpu.sem_alloc : memref<!tpu.dma_semaphore, #tpu.memory_space<semaphore_mem>>
        %dma_start3A_23 = arith.constant 0 : i32
        %dma_start3A_24 = tpu.memref_slice %arg8[%scan3A_12, %dma_start3A_23] : memref<125x80xi32, #tpu.memory_space<vmem>> -> memref<1x80xi32, #tpu.memory_space<vmem>>
        %dma_start3A_25 = tpu.memref_squeeze %dma_start3A_24 : memref<1x80xi32, #tpu.memory_space<vmem>> -> memref<80xi32, #tpu.memory_space<vmem>>
        %dma_start3A_26 = arith.constant 0 : i32
        %dma_start3A_27 = arith.constant 0 : i32
        %dma_start3A_28 = tpu.memref_slice %arg10[%dma_start3A_26, %dma_start3A_27] : memref<10240x128xf32, #tpu.memory_space<vmem_shared>> -> memref<10240x128xf32, #tpu.memory_space<vmem_shared>>
        tpu.enqueue_indirect_dma source(%arg9 : memref<80x128xf32, #tpu.memory_space<vmem>>) target(%dma_start3A_28 : memref<10240x128xf32, #tpu.memory_space<vmem_shared>>) offsets(%dma_start3A_25 : memref<80xi32, #tpu.memory_space<vmem>>) semaphore(%run_scoped3A : memref<!tpu.dma_semaphore, #tpu.memory_space<semaphore_mem>>) {add = true}
        %dma_wait3A_29 = arith.constant 0 : i32
        %dma_wait3A_30 = tpu.memref_slice %arg8[%scan3A_12, %dma_wait3A_29] : memref<125x80xi32, #tpu.memory_space<vmem>> -> memref<1x80xi32, #tpu.memory_space<vmem>>
        %dma_wait3A_31 = tpu.memref_squeeze %dma_wait3A_30 : memref<1x80xi32, #tpu.memory_space<vmem>> -> memref<80xi32, #tpu.memory_space<vmem>>
        %dma_wait3A_32 = arith.constant 0 : i32
        %dma_wait3A_33 = arith.constant 0 : i32
        %dma_wait3A_34 = tpu.memref_slice %arg10[%dma_wait3A_32, %dma_wait3A_33] : memref<10240x128xf32, #tpu.memory_space<vmem_shared>> -> memref<10240x128xf32, #tpu.memory_space<vmem_shared>>
        tpu.wait_indirect_dma semaphore(%run_scoped3A : memref<!tpu.dma_semaphore, #tpu.memory_space<semaphore_mem>>) src(%arg9 : memref<80x128xf32, #tpu.memory_space<vmem>>) dst(%dma_wait3A_34 : memref<10240x128xf32, #tpu.memory_space<vmem_shared>>)
        tpu.yield
      }) : () -> ()
    }
    %scan3A_7 = arith.constant 125 : i32
    %barrier3A_8 = arith.constant 0 : index
    tpu.barrier barrier_id(%barrier3A_8)
    %mul3A_9 = arith.constant 10240 : i32
    %mul3A_10 = arith.muli %arg0, %mul3A_9 : i32
    %add3A_11 = arith.addi %mul3A_10, %mul3A_2 : i32
    "tpu.region"() ({
      %run_scoped3A = tpu.sem_alloc : memref<!tpu.dma_semaphore, #tpu.memory_space<semaphore_mem>>
      %dma_start3A = arith.constant 0 : i32
      %dma_start3A_12 = tpu.memref_slice %arg6[%add3A_11, %dma_start3A] : memref<20480x128xf32, #tpu.memory_space<hbm>> -> memref<640x128xf32, #tpu.memory_space<hbm>>
      %dma_start3A_13 = arith.constant 0 : i32
      %dma_start3A_14 = tpu.memref_slice %arg10[%mul3A_2, %dma_start3A_13] : memref<10240x128xf32, #tpu.memory_space<vmem_shared>> -> memref<640x128xf32, #tpu.memory_space<vmem_shared>>
      tpu.enqueue_dma source(%dma_start3A_14 : memref<640x128xf32, #tpu.memory_space<vmem_shared>>) target(%dma_start3A_12 : memref<640x128xf32, #tpu.memory_space<hbm>>) target_semaphore(%run_scoped3A : memref<!tpu.dma_semaphore, #tpu.memory_space<semaphore_mem>>)
      %dma_wait3A = arith.constant 0 : i32
      %dma_wait3A_15 = tpu.memref_slice %arg6[%add3A_11, %dma_wait3A] : memref<20480x128xf32, #tpu.memory_space<hbm>> -> memref<640x128xf32, #tpu.memory_space<hbm>>
      %dma_wait3A_16 = arith.constant 0 : i32
      %dma_wait3A_17 = tpu.memref_slice %arg10[%mul3A_2, %dma_wait3A_16] : memref<10240x128xf32, #tpu.memory_space<vmem_shared>> -> memref<640x128xf32, #tpu.memory_space<vmem_shared>>
      tpu.wait_dma2 semaphore(%run_scoped3A : memref<!tpu.dma_semaphore, #tpu.memory_space<semaphore_mem>>) src(%dma_wait3A_17 : memref<640x128xf32, #tpu.memory_space<vmem_shared>>) dst(%dma_wait3A_15 : memref<640x128xf32, #tpu.memory_space<hbm>>)
      tpu.yield
    }) : () -> ()
    return
  }
}

module attributes {stable_mosaic.version = 14 : i64} {
  func.func @body(%arg0: memref<2x10000xf32, #tpu.memory_space<vmem>>, %arg1: memref<10000x1xf32, #tpu.memory_space<vmem>>) attributes {dimension_semantics = [], scalar_prefetch = 0 : i64, scratch_operands = 0 : i64, tpu.core_type = #tpu.core_type<tc>} {
    %broadcast_in_dim3A = arith.constant 1.000000e+00 : f32
    %broadcast_in_dim3A_0 = vector.broadcast %broadcast_in_dim3A : f32 to vector<2x1xf32>
    %get3A = arith.constant 0 : index
    %get3A_1 = arith.constant 0 : index
    %get3A_2 = vector.load %arg0[%get3A, %get3A_1] : memref<2x10000xf32, #tpu.memory_space<vmem>>, vector<2x10000xf32>
    %dot_general3A = arith.constant dense<0.000000e+00> : vector<10000x1xf32>
    %dot_general3A_3 = tpu.matmul %get3A_2, %broadcast_in_dim3A_0, %dot_general3A {dimension_numbers = #tpu.dot_dimension_numbers<[0], [0], [1], [1], [0, 1, 1, 1], [], []>, transpose_lhs_hint = false} : vector<2x10000xf32>, vector<2x1xf32>, vector<10000x1xf32> -> vector<10000x1xf32>
    %add3A = arith.constant 1.000000e+00 : f32
    %add3A_4 = vector.broadcast %add3A : f32 to vector<10000x1xf32>
    %add3A_5 = arith.addf %dot_general3A_3, %add3A_4 : vector<10000x1xf32>
    %rsqrt3A = math.rsqrt %add3A_5 : vector<10000x1xf32>
    %swap3A = arith.constant 0 : index
    %swap3A_6 = arith.constant 0 : index
    %swap3A_7 = vector.load %arg1[%swap3A, %swap3A_6] : memref<10000x1xf32, #tpu.memory_space<vmem>>, vector<10000x1xf32>
    tpu.vector_store %arg1[%swap3A, %swap3A_6], %rsqrt3A {strides = array<i32>} : memref<10000x1xf32, #tpu.memory_space<vmem>>, vector<10000x1xf32>,
    return
  }
}

module attributes {stable_mosaic.version = 14 : i64} {
  func.func @body(%arg0: memref<10000x128xf32, #tpu.memory_space<vmem>>, %arg1: memref<128x128xf32, #tpu.memory_space<vmem>>, %arg2: memref<10000x1xf32, #tpu.memory_space<vmem>>, %arg3: memref<10000x128xf32, #tpu.memory_space<vmem>>) attributes {dimension_semantics = [], scalar_prefetch = 0 : i64, scratch_operands = 0 : i64, tpu.core_type = #tpu.core_type<tc>} {
    %get3A = arith.constant 0 : index
    %get3A_0 = arith.constant 0 : index
    %get3A_1 = vector.load %arg0[%get3A, %get3A_0] : memref<10000x128xf32, #tpu.memory_space<vmem>>, vector<10000x128xf32>
    %get3A_2 = arith.constant 0 : index
    %get3A_3 = arith.constant 0 : index
    %get3A_4 = vector.load %arg1[%get3A_2, %get3A_3] : memref<128x128xf32, #tpu.memory_space<vmem>>, vector<128x128xf32>
    %dot_general3A = arith.constant dense<0.000000e+00> : vector<10000x128xf32>
    %dot_general3A_5 = tpu.matmul %get3A_1, %get3A_4, %dot_general3A {dimension_numbers = #tpu.dot_dimension_numbers<[1], [0], [0], [1], [0, 0, 1, 1], [], []>, transpose_lhs_hint = false} : vector<10000x128xf32>, vector<128x128xf32>, vector<10000x128xf32> -> vector<10000x128xf32>
    %get3A_6 = arith.constant 0 : index
    %get3A_7 = arith.constant 0 : index
    %get3A_8 = vector.load %arg2[%get3A_6, %get3A_7] : memref<10000x1xf32, #tpu.memory_space<vmem>>, vector<10000x1xf32>
    %mul3A = vector.broadcast %get3A_8 : vector<10000x1xf32> to vector<10000x128xf32>
    %mul3A_9 = arith.mulf %dot_general3A_5, %mul3A : vector<10000x128xf32>
    %swap3A = arith.constant 0 : index
    %swap3A_10 = arith.constant 0 : index
    %swap3A_11 = vector.load %arg3[%swap3A, %swap3A_10] : memref<10000x128xf32, #tpu.memory_space<vmem>>, vector<10000x128xf32>
    tpu.vector_store %arg3[%swap3A, %swap3A_10], %mul3A_9 {strides = array<i32>} : memref<10000x128xf32, #tpu.memory_space<vmem>>, vector<10000x128xf32>,
    return
  }
}

module attributes {stable_mosaic.version = 14 : i64} {
  func.func @body(%arg0: memref<20480x128xf32, #tpu.memory_space<vmem>>, %arg1: memref<10000x128xf32, #tpu.memory_space<vmem>>, %arg2: memref<10000x1xf32, #tpu.memory_space<vmem>>, %arg3: memref<128xf32, #tpu.memory_space<vmem>>, %arg4: memref<128xf32, #tpu.memory_space<vmem>>, %arg5: memref<128xf32, #tpu.memory_space<vmem>>, %arg6: memref<128x128xf32, #tpu.memory_space<vmem>>, %arg7: memref<10000x128xf32, #tpu.memory_space<vmem>>, %arg8: memref<10000x128xf32, #tpu.memory_space<vmem>>) attributes {dimension_semantics = [], scalar_prefetch = 0 : i64, scratch_operands = 0 : i64, tpu.core_type = #tpu.core_type<tc>} {
    %get3A = arith.constant 0 : index
    %get3A_0 = arith.constant 0 : index
    %get3A_1 = vector.load %arg0[%get3A, %get3A_0] : memref<20480x128xf32, #tpu.memory_space<vmem>>, vector<10000x128xf32>
    %get3A_2 = arith.constant 10240 : index
    %get3A_3 = arith.constant 0 : index
    %get3A_4 = vector.load %arg0[%get3A_2, %get3A_3] : memref<20480x128xf32, #tpu.memory_space<vmem>>, vector<10000x128xf32>
    %add3A = arith.addf %get3A_1, %get3A_4 : vector<10000x128xf32>
    %get3A_5 = arith.constant 0 : index
    %get3A_6 = arith.constant 0 : index
    %get3A_7 = vector.load %arg1[%get3A_5, %get3A_6] : memref<10000x128xf32, #tpu.memory_space<vmem>>, vector<10000x128xf32>
    %add3A_8 = arith.addf %add3A, %get3A_7 : vector<10000x128xf32>
    %get3A_9 = arith.constant 0 : index
    %get3A_10 = arith.constant 0 : index
    %get3A_11 = vector.load %arg2[%get3A_9, %get3A_10] : memref<10000x1xf32, #tpu.memory_space<vmem>>, vector<10000x1xf32>
    %mul3A = vector.broadcast %get3A_11 : vector<10000x1xf32> to vector<10000x128xf32>
    %mul3A_12 = arith.mulf %add3A_8, %mul3A : vector<10000x128xf32>
    %get3A_13 = arith.constant 0 : index
    %get3A_14 = vector.load %arg3[%get3A_13] : memref<128xf32, #tpu.memory_space<vmem>>, vector<128xf32>
    %broadcast_in_dim3A = vector.shape_cast %get3A_14 : vector<128xf32> to vector<1x128xf32>
    %add3A_15 = vector.broadcast %broadcast_in_dim3A : vector<1x128xf32> to vector<10000x128xf32>
    %add3A_16 = arith.addf %mul3A_12, %add3A_15 : vector<10000x128xf32>
    %reduce_sum3A = arith.constant dense<0.000000e+00> : vector<128xf32>
    %reduce_sum3A_17 = vector.multi_reduction <add>, %add3A_16, %reduce_sum3A [0] : vector<10000x128xf32> to vector<128xf32>
    %div3A = arith.constant 1.000000e+04 : f32
    %div3A_18 = vector.broadcast %div3A : f32 to vector<128xf32>
    %div3A_19 = arith.divf %reduce_sum3A_17, %div3A_18 : vector<128xf32>
    %mul3A_20 = arith.mulf %add3A_16, %add3A_16 : vector<10000x128xf32>
    %reduce_sum3A_21 = arith.constant dense<0.000000e+00> : vector<128xf32>
    %reduce_sum3A_22 = vector.multi_reduction <add>, %mul3A_20, %reduce_sum3A_21 [0] : vector<10000x128xf32> to vector<128xf32>
    %div3A_23 = arith.constant 1.000000e+04 : f32
    %div3A_24 = vector.broadcast %div3A_23 : f32 to vector<128xf32>
    %div3A_25 = arith.divf %reduce_sum3A_22, %div3A_24 : vector<128xf32>
    %mul3A_26 = arith.mulf %div3A_19, %div3A_19 : vector<128xf32>
    %sub3A = arith.subf %div3A_25, %mul3A_26 : vector<128xf32>
    %broadcast_in_dim3A_27 = vector.shape_cast %div3A_19 : vector<128xf32> to vector<1x128xf32>
    %sub3A_28 = vector.broadcast %broadcast_in_dim3A_27 : vector<1x128xf32> to vector<10000x128xf32>
    %sub3A_29 = arith.subf %add3A_16, %sub3A_28 : vector<10000x128xf32>
    %add3A_30 = arith.constant 9.99999974E-6 : f32
    %add3A_31 = vector.broadcast %add3A_30 : f32 to vector<128xf32>
    %add3A_32 = arith.addf %sub3A, %add3A_31 : vector<128xf32>
    %sqrt3A = math.sqrt %add3A_32 : vector<128xf32>
    %broadcast_in_dim3A_33 = vector.shape_cast %sqrt3A : vector<128xf32> to vector<1x128xf32>
    %div3A_34 = vector.broadcast %broadcast_in_dim3A_33 : vector<1x128xf32> to vector<10000x128xf32>
    %div3A_35 = arith.divf %sub3A_29, %div3A_34 : vector<10000x128xf32>
    %get3A_36 = arith.constant 0 : index
    %get3A_37 = vector.load %arg4[%get3A_36] : memref<128xf32, #tpu.memory_space<vmem>>, vector<128xf32>
    %broadcast_in_dim3A_38 = vector.shape_cast %get3A_37 : vector<128xf32> to vector<1x128xf32>
    %mul3A_39 = vector.broadcast %broadcast_in_dim3A_38 : vector<1x128xf32> to vector<10000x128xf32>
    %mul3A_40 = arith.mulf %div3A_35, %mul3A_39 : vector<10000x128xf32>
    %get3A_41 = arith.constant 0 : index
    %get3A_42 = vector.load %arg5[%get3A_41] : memref<128xf32, #tpu.memory_space<vmem>>, vector<128xf32>
    %broadcast_in_dim3A_43 = vector.shape_cast %get3A_42 : vector<128xf32> to vector<1x128xf32>
    %add3A_44 = vector.broadcast %broadcast_in_dim3A_43 : vector<1x128xf32> to vector<10000x128xf32>
    %add3A_45 = arith.addf %mul3A_40, %add3A_44 : vector<10000x128xf32>
    %max3A = arith.constant 0.000000e+00 : f32
    %max3A_46 = vector.broadcast %max3A : f32 to vector<10000x128xf32>
    %max3A_47 = arith.maximumf %add3A_45, %max3A_46 : vector<10000x128xf32>
    %swap3A = arith.constant 0 : index
    %swap3A_48 = arith.constant 0 : index
    %swap3A_49 = vector.load %arg7[%swap3A, %swap3A_48] : memref<10000x128xf32, #tpu.memory_space<vmem>>, vector<10000x128xf32>
    tpu.vector_store %arg7[%swap3A, %swap3A_48], %max3A_47 {strides = array<i32>} : memref<10000x128xf32, #tpu.memory_space<vmem>>, vector<10000x128xf32>,
    %get3A_50 = arith.constant 0 : index
    %get3A_51 = arith.constant 0 : index
    %get3A_52 = vector.load %arg6[%get3A_50, %get3A_51] : memref<128x128xf32, #tpu.memory_space<vmem>>, vector<128x128xf32>
    %dot_general3A = arith.constant dense<0.000000e+00> : vector<10000x128xf32>
    %dot_general3A_53 = tpu.matmul %max3A_47, %get3A_52, %dot_general3A {dimension_numbers = #tpu.dot_dimension_numbers<[1], [0], [0], [1], [0, 0, 1, 1], [], []>, transpose_lhs_hint = false} : vector<10000x128xf32>, vector<128x128xf32>, vector<10000x128xf32> -> vector<10000x128xf32>
    %get3A_54 = arith.constant 0 : index
    %get3A_55 = arith.constant 0 : index
    %get3A_56 = vector.load %arg2[%get3A_54, %get3A_55] : memref<10000x1xf32, #tpu.memory_space<vmem>>, vector<10000x1xf32>
    %mul3A_57 = vector.broadcast %get3A_56 : vector<10000x1xf32> to vector<10000x128xf32>
    %mul3A_58 = arith.mulf %dot_general3A_53, %mul3A_57 : vector<10000x128xf32>
    %swap3A_59 = arith.constant 0 : index
    %swap3A_60 = arith.constant 0 : index
    %swap3A_61 = vector.load %arg8[%swap3A_59, %swap3A_60] : memref<10000x128xf32, #tpu.memory_space<vmem>>, vector<10000x128xf32>
    tpu.vector_store %arg8[%swap3A_59, %swap3A_60], %mul3A_58 {strides = array<i32>} : memref<10000x128xf32, #tpu.memory_space<vmem>>, vector<10000x128xf32>,
    return
  }
}

module attributes {stable_mosaic.version = 14 : i64} {
  func.func @body(%arg0: memref<20480x128xf32, #tpu.memory_space<vmem>>, %arg1: memref<10000x128xf32, #tpu.memory_space<vmem>>, %arg2: memref<10000x1xf32, #tpu.memory_space<vmem>>, %arg3: memref<128xf32, #tpu.memory_space<vmem>>, %arg4: memref<128xf32, #tpu.memory_space<vmem>>, %arg5: memref<128xf32, #tpu.memory_space<vmem>>, %arg6: memref<10000x128xf32, #tpu.memory_space<vmem>>) attributes {dimension_semantics = [], scalar_prefetch = 0 : i64, scratch_operands = 0 : i64, tpu.core_type = #tpu.core_type<tc>} {
    %get3A = arith.constant 0 : index
    %get3A_0 = arith.constant 0 : index
    %get3A_1 = vector.load %arg0[%get3A, %get3A_0] : memref<20480x128xf32, #tpu.memory_space<vmem>>, vector<10000x128xf32>
    %get3A_2 = arith.constant 10240 : index
    %get3A_3 = arith.constant 0 : index
    %get3A_4 = vector.load %arg0[%get3A_2, %get3A_3] : memref<20480x128xf32, #tpu.memory_space<vmem>>, vector<10000x128xf32>
    %add3A = arith.addf %get3A_1, %get3A_4 : vector<10000x128xf32>
    %get3A_5 = arith.constant 0 : index
    %get3A_6 = arith.constant 0 : index
    %get3A_7 = vector.load %arg1[%get3A_5, %get3A_6] : memref<10000x128xf32, #tpu.memory_space<vmem>>, vector<10000x128xf32>
    %add3A_8 = arith.addf %add3A, %get3A_7 : vector<10000x128xf32>
    %get3A_9 = arith.constant 0 : index
    %get3A_10 = arith.constant 0 : index
    %get3A_11 = vector.load %arg2[%get3A_9, %get3A_10] : memref<10000x1xf32, #tpu.memory_space<vmem>>, vector<10000x1xf32>
    %mul3A = vector.broadcast %get3A_11 : vector<10000x1xf32> to vector<10000x128xf32>
    %mul3A_12 = arith.mulf %add3A_8, %mul3A : vector<10000x128xf32>
    %get3A_13 = arith.constant 0 : index
    %get3A_14 = vector.load %arg3[%get3A_13] : memref<128xf32, #tpu.memory_space<vmem>>, vector<128xf32>
    %broadcast_in_dim3A = vector.shape_cast %get3A_14 : vector<128xf32> to vector<1x128xf32>
    %add3A_15 = vector.broadcast %broadcast_in_dim3A : vector<1x128xf32> to vector<10000x128xf32>
    %add3A_16 = arith.addf %mul3A_12, %add3A_15 : vector<10000x128xf32>
    %reduce_sum3A = arith.constant dense<0.000000e+00> : vector<128xf32>
    %reduce_sum3A_17 = vector.multi_reduction <add>, %add3A_16, %reduce_sum3A [0] : vector<10000x128xf32> to vector<128xf32>
    %div3A = arith.constant 1.000000e+04 : f32
    %div3A_18 = vector.broadcast %div3A : f32 to vector<128xf32>
    %div3A_19 = arith.divf %reduce_sum3A_17, %div3A_18 : vector<128xf32>
    %mul3A_20 = arith.mulf %add3A_16, %add3A_16 : vector<10000x128xf32>
    %reduce_sum3A_21 = arith.constant dense<0.000000e+00> : vector<128xf32>
    %reduce_sum3A_22 = vector.multi_reduction <add>, %mul3A_20, %reduce_sum3A_21 [0] : vector<10000x128xf32> to vector<128xf32>
    %div3A_23 = arith.constant 1.000000e+04 : f32
    %div3A_24 = vector.broadcast %div3A_23 : f32 to vector<128xf32>
    %div3A_25 = arith.divf %reduce_sum3A_22, %div3A_24 : vector<128xf32>
    %mul3A_26 = arith.mulf %div3A_19, %div3A_19 : vector<128xf32>
    %sub3A = arith.subf %div3A_25, %mul3A_26 : vector<128xf32>
    %broadcast_in_dim3A_27 = vector.shape_cast %div3A_19 : vector<128xf32> to vector<1x128xf32>
    %sub3A_28 = vector.broadcast %broadcast_in_dim3A_27 : vector<1x128xf32> to vector<10000x128xf32>
    %sub3A_29 = arith.subf %add3A_16, %sub3A_28 : vector<10000x128xf32>
    %add3A_30 = arith.constant 9.99999974E-6 : f32
    %add3A_31 = vector.broadcast %add3A_30 : f32 to vector<128xf32>
    %add3A_32 = arith.addf %sub3A, %add3A_31 : vector<128xf32>
    %sqrt3A = math.sqrt %add3A_32 : vector<128xf32>
    %broadcast_in_dim3A_33 = vector.shape_cast %sqrt3A : vector<128xf32> to vector<1x128xf32>
    %div3A_34 = vector.broadcast %broadcast_in_dim3A_33 : vector<1x128xf32> to vector<10000x128xf32>
    %div3A_35 = arith.divf %sub3A_29, %div3A_34 : vector<10000x128xf32>
    %get3A_36 = arith.constant 0 : index
    %get3A_37 = vector.load %arg4[%get3A_36] : memref<128xf32, #tpu.memory_space<vmem>>, vector<128xf32>
    %broadcast_in_dim3A_38 = vector.shape_cast %get3A_37 : vector<128xf32> to vector<1x128xf32>
    %mul3A_39 = vector.broadcast %broadcast_in_dim3A_38 : vector<1x128xf32> to vector<10000x128xf32>
    %mul3A_40 = arith.mulf %div3A_35, %mul3A_39 : vector<10000x128xf32>
    %get3A_41 = arith.constant 0 : index
    %get3A_42 = vector.load %arg5[%get3A_41] : memref<128xf32, #tpu.memory_space<vmem>>, vector<128xf32>
    %broadcast_in_dim3A_43 = vector.shape_cast %get3A_42 : vector<128xf32> to vector<1x128xf32>
    %add3A_44 = vector.broadcast %broadcast_in_dim3A_43 : vector<1x128xf32> to vector<10000x128xf32>
    %add3A_45 = arith.addf %mul3A_40, %add3A_44 : vector<10000x128xf32>
    %max3A = arith.constant 0.000000e+00 : f32
    %max3A_46 = vector.broadcast %max3A : f32 to vector<10000x128xf32>
    %max3A_47 = arith.maximumf %add3A_45, %max3A_46 : vector<10000x128xf32>
    %swap3A = arith.constant 0 : index
    %swap3A_48 = arith.constant 0 : index
    %swap3A_49 = vector.load %arg6[%swap3A, %swap3A_48] : memref<10000x128xf32, #tpu.memory_space<vmem>>, vector<10000x128xf32>
    tpu.vector_store %arg6[%swap3A, %swap3A_48], %max3A_47 {strides = array<i32>} : memref<10000x128xf32, #tpu.memory_space<vmem>>, vector<10000x128xf32>,
    return
  }
}

module attributes {stable_mosaic.version = 14 : i64} {
  func.func @body(%arg0: i32, %arg1: memref<1000x128xf32, #tpu.memory_space<vmem>>, %arg2: memref<1000x128xf32, #tpu.memory_space<vmem>>, %arg3: memref<1000x128xf32, #tpu.memory_space<vmem>>, %arg4: memref<128x1xf32, #tpu.memory_space<vmem>>, %arg5: memref<1x1xf32, #tpu.memory_space<vmem>>, %arg6: memref<128x1xf32, #tpu.memory_space<vmem>>, %arg7: memref<1x1x128xf32, #tpu.memory_space<vmem>>) attributes {dimension_semantics = [#tpu.dimension_semantics<arbitrary>], iteration_bounds = array<i64: 10>, scalar_prefetch = 0 : i64, scratch_operands = 0 : i64, tpu.core_type = #tpu.core_type<tc>, window_params = [{transform_indices = @transform_0, window_bounds = array<i64: 1000, 128>}, {transform_indices = @transform_1, window_bounds = array<i64: 1000, 128>}, {transform_indices = @transform_2, window_bounds = array<i64: 1000, 128>}, {pipeline_mode = #tpu.pipeline_mode<synchronous>, transform_indices = @transform_3, window_bounds = array<i64: 128, 1>}, {pipeline_mode = #tpu.pipeline_mode<synchronous>, transform_indices = @transform_4, window_bounds = array<i64: 1, 1>}, {pipeline_mode = #tpu.pipeline_mode<synchronous>, transform_indices = @transform_5, window_bounds = array<i64: 128, 1>}, {transform_indices = @transform_6, window_bounds = array<i64: 1, 1, 128>}]} {
    %get3A = arith.constant 0 : index
    %get3A_0 = arith.constant 0 : index
    %get3A_1 = vector.load %arg1[%get3A, %get3A_0] : memref<1000x128xf32, #tpu.memory_space<vmem>>, vector<1000x128xf32>
    %get3A_2 = arith.constant 0 : index
    %get3A_3 = arith.constant 0 : index
    %get3A_4 = vector.load %arg4[%get3A_2, %get3A_3] : memref<128x1xf32, #tpu.memory_space<vmem>>, vector<128x1xf32>
    %dot_general3A = arith.constant dense<0.000000e+00> : vector<1000x1xf32>
    %dot_general3A_5 = tpu.matmul %get3A_1, %get3A_4, %dot_general3A {dimension_numbers = #tpu.dot_dimension_numbers<[1], [0], [0], [1], [0, 0, 1, 1], [], []>, transpose_lhs_hint = false} : vector<1000x128xf32>, vector<128x1xf32>, vector<1000x1xf32> -> vector<1000x1xf32>
    %get3A_6 = arith.constant 0 : index
    %get3A_7 = arith.constant 0 : index
    %get3A_8 = vector.load %arg5[%get3A_6, %get3A_7] : memref<1x1xf32, #tpu.memory_space<vmem>>, vector<1x1xf32>
    %add3A = vector.broadcast %get3A_8 : vector<1x1xf32> to vector<1000x1xf32>
    %add3A_9 = arith.addf %dot_general3A_5, %add3A : vector<1000x1xf32>
    %get3A_10 = arith.constant 0 : index
    %get3A_11 = arith.constant 0 : index
    %get3A_12 = vector.load %arg2[%get3A_10, %get3A_11] : memref<1000x128xf32, #tpu.memory_space<vmem>>, vector<1000x128xf32>
    %get3A_13 = arith.constant 0 : index
    %get3A_14 = arith.constant 0 : index
    %get3A_15 = vector.load %arg6[%get3A_13, %get3A_14] : memref<128x1xf32, #tpu.memory_space<vmem>>, vector<128x1xf32>
    %dot_general3A_16 = arith.constant dense<0.000000e+00> : vector<1000x1xf32>
    %dot_general3A_17 = tpu.matmul %get3A_12, %get3A_15, %dot_general3A_16 {dimension_numbers = #tpu.dot_dimension_numbers<[1], [0], [0], [1], [0, 0, 1, 1], [], []>, transpose_lhs_hint = false} : vector<1000x128xf32>, vector<128x1xf32>, vector<1000x1xf32> -> vector<1000x1xf32>
    %add3A_18 = arith.addf %add3A_9, %dot_general3A_17 : vector<1000x1xf32>
    %reduce_max3A = vector.shape_cast %add3A_18 : vector<1000x1xf32> to vector<1x1000x1xf32>
    %reduce_max3A_19 = arith.constant dense<0xFF800000> : vector<1xf32>
    %reduce_max3A_20 = vector.multi_reduction <maximumf>, %reduce_max3A, %reduce_max3A_19 [1, 2] : vector<1x1000x1xf32> to vector<1xf32>
    %reduce_max3A_21 = vector.shape_cast %reduce_max3A_20 : vector<1xf32> to vector<1x1x1xf32>
    %reduce_max3A_22 = vector.extract %reduce_max3A_21[0, 0, 0] : f32 from vector<1x1x1xf32>
    %sub3A = vector.broadcast %reduce_max3A_22 : f32 to vector<1000x1xf32>
    %sub3A_23 = arith.subf %add3A_18, %sub3A : vector<1000x1xf32>
    %exp3A = math.exp %sub3A_23 : vector<1000x1xf32>
    %reduce_sum3A = vector.shape_cast %exp3A : vector<1000x1xf32> to vector<1x1000x1xf32>
    %reduce_sum3A_24 = arith.constant dense<0.000000e+00> : vector<1xf32>
    %reduce_sum3A_25 = vector.multi_reduction <add>, %reduce_sum3A, %reduce_sum3A_24 [1, 2] : vector<1x1000x1xf32> to vector<1xf32>
    %reduce_sum3A_26 = vector.shape_cast %reduce_sum3A_25 : vector<1xf32> to vector<1x1x1xf32>
    %reduce_sum3A_27 = vector.extract %reduce_sum3A_26[0, 0, 0] : f32 from vector<1x1x1xf32>
    %div3A = vector.broadcast %reduce_sum3A_27 : f32 to vector<1000x1xf32>
    %div3A_28 = arith.divf %exp3A, %div3A : vector<1000x1xf32>
    %get3A_29 = arith.constant 0 : index
    %get3A_30 = arith.constant 0 : index
    %get3A_31 = vector.load %arg3[%get3A_29, %get3A_30] : memref<1000x128xf32, #tpu.memory_space<vmem>>, vector<1000x128xf32>
    %dot_general3A_32 = arith.constant dense<0.000000e+00> : vector<1x128xf32>
    %dot_general3A_33 = tpu.matmul %div3A_28, %get3A_31, %dot_general3A_32 {dimension_numbers = #tpu.dot_dimension_numbers<[0], [0], [1], [1], [0, 1, 1, 1], [], []>, transpose_lhs_hint = false} : vector<1000x1xf32>, vector<1000x128xf32>, vector<1x128xf32> -> vector<1x128xf32>
    %reshape3A = vector.shape_cast %dot_general3A_33 : vector<1x128xf32> to vector<1x1x128xf32>
    %swap3A = arith.constant 0 : index
    %swap3A_34 = arith.constant 0 : index
    %swap3A_35 = arith.constant 0 : index
    %swap3A_36 = vector.load %arg7[%swap3A, %swap3A_34, %swap3A_35] : memref<1x1x128xf32, #tpu.memory_space<vmem>>, vector<1x1x128xf32>
    tpu.vector_store %arg7[%swap3A, %swap3A_34, %swap3A_35], %reshape3A {strides = array<i32>} : memref<1x1x128xf32, #tpu.memory_space<vmem>>, vector<1x1x128xf32>,
    return
  }
  func.func @transform_0(%arg0: i32) -> (i32, i32) {
    %c0_i32 = arith.constant 0 : i32
    %c0_i32_0 = arith.constant 0 : i32
    return %arg0, %c0_i32 : i32, i32
  }
  func.func @transform_1(%arg0: i32) -> (i32, i32) {
    %c0_i32 = arith.constant 0 : i32
    %c0_i32_0 = arith.constant 0 : i32
    return %arg0, %c0_i32 : i32, i32
  }
  func.func @transform_2(%arg0: i32) -> (i32, i32) {
    %c0_i32 = arith.constant 0 : i32
    %c0_i32_0 = arith.constant 0 : i32
    return %arg0, %c0_i32 : i32, i32
  }
  func.func @transform_3(%arg0: i32) -> (i32, i32) {
    %c0_i32 = arith.constant 0 : i32
    %c0_i32_0 = arith.constant 0 : i32
    %c0_i32_1 = arith.constant 0 : i32
    return %c0_i32, %c0_i32_0 : i32, i32
  }
  func.func @transform_4(%arg0: i32) -> (i32, i32) {
    %c0_i32 = arith.constant 0 : i32
    %c0_i32_0 = arith.constant 0 : i32
    %c0_i32_1 = arith.constant 0 : i32
    return %c0_i32, %c0_i32_0 : i32, i32
  }
  func.func @transform_5(%arg0: i32) -> (i32, i32) {
    %c0_i32 = arith.constant 0 : i32
    %c0_i32_0 = arith.constant 0 : i32
    %c0_i32_1 = arith.constant 0 : i32
    return %c0_i32, %c0_i32_0 : i32, i32
  }
  func.func @transform_6(%arg0: i32) -> (i32, i32, i32) {
    %c0_i32 = arith.constant 0 : i32
    %c0_i32_0 = arith.constant 0 : i32
    %c0_i32_1 = arith.constant 0 : i32
    return %arg0, %c0_i32, %c0_i32_0 : i32, i32, i32
  }
}

module attributes {stable_mosaic.version = 14 : i64} {
  func.func @body(%arg0: memref<10x128xf32, #tpu.memory_space<vmem>>, %arg1: memref<128x64xf32, #tpu.memory_space<vmem>>, %arg2: memref<64xf32, #tpu.memory_space<vmem>>, %arg3: memref<128x64xf32, #tpu.memory_space<vmem>>, %arg4: memref<64xf32, #tpu.memory_space<vmem>>, %arg5: memref<10x64xf32, #tpu.memory_space<vmem>>, %arg6: memref<64x64000xf32, #tpu.memory_space<vmem>>, %arg7: memref<10x64xf32, #tpu.memory_space<vmem>>, %arg8: memref<10x64xf32, #tpu.memory_space<vmem>>, %arg9: memref<10x64xf32, #tpu.memory_space<vmem>>, %arg10: memref<10x64000xf32, #tpu.memory_space<vmem>>) attributes {dimension_semantics = [], scalar_prefetch = 0 : i64, scratch_operands = 0 : i64, tpu.core_type = #tpu.core_type<tc>} {
    %get3A = arith.constant 0 : index
    %get3A_0 = arith.constant 0 : index
    %get3A_1 = vector.load %arg0[%get3A, %get3A_0] : memref<10x128xf32, #tpu.memory_space<vmem>>, vector<10x128xf32>
    %get3A_2 = arith.constant 0 : index
    %get3A_3 = arith.constant 0 : index
    %get3A_4 = vector.load %arg1[%get3A_2, %get3A_3] : memref<128x64xf32, #tpu.memory_space<vmem>>, vector<128x64xf32>
    %dot_general3A = arith.constant dense<0.000000e+00> : vector<10x64xf32>
    %dot_general3A_5 = tpu.matmul %get3A_1, %get3A_4, %dot_general3A {dimension_numbers = #tpu.dot_dimension_numbers<[1], [0], [0], [1], [0, 0, 1, 1], [], []>, transpose_lhs_hint = false} : vector<10x128xf32>, vector<128x64xf32>, vector<10x64xf32> -> vector<10x64xf32>
    %get3A_6 = arith.constant 0 : index
    %get3A_7 = vector.load %arg2[%get3A_6] : memref<64xf32, #tpu.memory_space<vmem>>, vector<64xf32>
    %broadcast_in_dim3A = vector.shape_cast %get3A_7 : vector<64xf32> to vector<1x64xf32>
    %add3A = vector.broadcast %broadcast_in_dim3A : vector<1x64xf32> to vector<10x64xf32>
    %add3A_8 = arith.addf %dot_general3A_5, %add3A : vector<10x64xf32>
    %get3A_9 = arith.constant 0 : index
    %get3A_10 = arith.constant 0 : index
    %get3A_11 = vector.load %arg0[%get3A_9, %get3A_10] : memref<10x128xf32, #tpu.memory_space<vmem>>, vector<10x128xf32>
    %get3A_12 = arith.constant 0 : index
    %get3A_13 = arith.constant 0 : index
    %get3A_14 = vector.load %arg3[%get3A_12, %get3A_13] : memref<128x64xf32, #tpu.memory_space<vmem>>, vector<128x64xf32>
    %dot_general3A_15 = arith.constant dense<0.000000e+00> : vector<10x64xf32>
    %dot_general3A_16 = tpu.matmul %get3A_11, %get3A_14, %dot_general3A_15 {dimension_numbers = #tpu.dot_dimension_numbers<[1], [0], [0], [1], [0, 0, 1, 1], [], []>, transpose_lhs_hint = false} : vector<10x128xf32>, vector<128x64xf32>, vector<10x64xf32> -> vector<10x64xf32>
    %get3A_17 = arith.constant 0 : index
    %get3A_18 = vector.load %arg4[%get3A_17] : memref<64xf32, #tpu.memory_space<vmem>>, vector<64xf32>
    %broadcast_in_dim3A_19 = vector.shape_cast %get3A_18 : vector<64xf32> to vector<1x64xf32>
    %add3A_20 = vector.broadcast %broadcast_in_dim3A_19 : vector<1x64xf32> to vector<10x64xf32>
    %add3A_21 = arith.addf %dot_general3A_16, %add3A_20 : vector<10x64xf32>
    %get3A_22 = arith.constant 0 : index
    %get3A_23 = arith.constant 0 : index
    %get3A_24 = vector.load %arg5[%get3A_22, %get3A_23] : memref<10x64xf32, #tpu.memory_space<vmem>>, vector<10x64xf32>
    %mul3A = arith.constant 5.000000e-01 : f32
    %mul3A_25 = vector.broadcast %mul3A : f32 to vector<10x64xf32>
    %mul3A_26 = arith.mulf %mul3A_25, %add3A_21 : vector<10x64xf32>
    %exp3A = math.exp %mul3A_26 : vector<10x64xf32>
    %mul3A_27 = arith.mulf %get3A_24, %exp3A : vector<10x64xf32>
    %add3A_28 = arith.addf %add3A_8, %mul3A_27 : vector<10x64xf32>
    %swap3A = arith.constant 0 : index
    %swap3A_29 = arith.constant 0 : index
    %swap3A_30 = vector.load %arg7[%swap3A, %swap3A_29] : memref<10x64xf32, #tpu.memory_space<vmem>>, vector<10x64xf32>
    tpu.vector_store %arg7[%swap3A, %swap3A_29], %add3A_8 {strides = array<i32>} : memref<10x64xf32, #tpu.memory_space<vmem>>, vector<10x64xf32>,
    %swap3A_31 = arith.constant 0 : index
    %swap3A_32 = arith.constant 0 : index
    %swap3A_33 = vector.load %arg8[%swap3A_31, %swap3A_32] : memref<10x64xf32, #tpu.memory_space<vmem>>, vector<10x64xf32>
    tpu.vector_store %arg8[%swap3A_31, %swap3A_32], %add3A_21 {strides = array<i32>} : memref<10x64xf32, #tpu.memory_space<vmem>>, vector<10x64xf32>,
    %swap3A_34 = arith.constant 0 : index
    %swap3A_35 = arith.constant 0 : index
    %swap3A_36 = vector.load %arg9[%swap3A_34, %swap3A_35] : memref<10x64xf32, #tpu.memory_space<vmem>>, vector<10x64xf32>
    tpu.vector_store %arg9[%swap3A_34, %swap3A_35], %add3A_28 {strides = array<i32>} : memref<10x64xf32, #tpu.memory_space<vmem>>, vector<10x64xf32>,
    %get3A_37 = arith.constant 0 : index
    %get3A_38 = arith.constant 0 : index
    %get3A_39 = vector.load %arg6[%get3A_37, %get3A_38] : memref<64x64000xf32, #tpu.memory_space<vmem>>, vector<64x64000xf32>
    %dot_general3A_40 = arith.constant dense<0.000000e+00> : vector<10x64000xf32>
    %dot_general3A_41 = tpu.matmul %add3A_28, %get3A_39, %dot_general3A_40 {dimension_numbers = #tpu.dot_dimension_numbers<[1], [0], [0], [1], [0, 0, 1, 1], [], []>, transpose_lhs_hint = false} : vector<10x64xf32>, vector<64x64000xf32>, vector<10x64000xf32> -> vector<10x64000xf32>
    %swap3A_42 = arith.constant 0 : index
    %swap3A_43 = arith.constant 0 : index
    %swap3A_44 = vector.load %arg10[%swap3A_42, %swap3A_43] : memref<10x64000xf32, #tpu.memory_space<vmem>>, vector<10x64000xf32>
    tpu.vector_store %arg10[%swap3A_42, %swap3A_43], %dot_general3A_41 {strides = array<i32>} : memref<10x64000xf32, #tpu.memory_space<vmem>>, vector<10x64000xf32>,
    return
  }
}

module attributes {stable_mosaic.version = 14 : i64} {
  func.func @body(%arg0: memref<10000x128xf32, #tpu.memory_space<vmem>>, %arg1: memref<10000x64xf32, #tpu.memory_space<vmem>>, %arg2: memref<128x64xf32, #tpu.memory_space<vmem>>, %arg3: memref<64xf32, #tpu.memory_space<vmem>>, %arg4: memref<64x64xf32, #tpu.memory_space<vmem>>, %arg5: memref<64xf32, #tpu.memory_space<vmem>>, %arg6: memref<64x64xf32, #tpu.memory_space<vmem>>, %arg7: memref<64xf32, #tpu.memory_space<vmem>>, %arg8: memref<10000x64xf32, #tpu.memory_space<vmem>>, %arg9: memref<10000x64xf32, #tpu.memory_space<vmem>>, %arg10: memref<10000x64xf32, #tpu.memory_space<vmem>>, %arg11: memref<10000x64xf32, #tpu.memory_space<vmem>>) attributes {dimension_semantics = [], scalar_prefetch = 0 : i64, scratch_operands = 0 : i64, tpu.core_type = #tpu.core_type<tc>} {
    %get3A = arith.constant 0 : index
    %get3A_0 = arith.constant 0 : index
    %get3A_1 = vector.load %arg0[%get3A, %get3A_0] : memref<10000x128xf32, #tpu.memory_space<vmem>>, vector<10000x128xf32>
    %get3A_2 = arith.constant 0 : index
    %get3A_3 = arith.constant 0 : index
    %get3A_4 = vector.load %arg2[%get3A_2, %get3A_3] : memref<128x64xf32, #tpu.memory_space<vmem>>, vector<128x64xf32>
    %dot_general3A = arith.constant dense<0.000000e+00> : vector<10000x64xf32>
    %dot_general3A_5 = tpu.matmul %get3A_1, %get3A_4, %dot_general3A {dimension_numbers = #tpu.dot_dimension_numbers<[1], [0], [0], [1], [0, 0, 1, 1], [], []>, transpose_lhs_hint = false} : vector<10000x128xf32>, vector<128x64xf32>, vector<10000x64xf32> -> vector<10000x64xf32>
    %get3A_6 = arith.constant 0 : index
    %get3A_7 = vector.load %arg3[%get3A_6] : memref<64xf32, #tpu.memory_space<vmem>>, vector<64xf32>
    %broadcast_in_dim3A = vector.shape_cast %get3A_7 : vector<64xf32> to vector<1x64xf32>
    %add3A = vector.broadcast %broadcast_in_dim3A : vector<1x64xf32> to vector<10000x64xf32>
    %add3A_8 = arith.addf %dot_general3A_5, %add3A : vector<10000x64xf32>
    %get3A_9 = arith.constant 0 : index
    %get3A_10 = arith.constant 0 : index
    %get3A_11 = vector.load %arg1[%get3A_9, %get3A_10] : memref<10000x64xf32, #tpu.memory_space<vmem>>, vector<10000x64xf32>
    %add3A_12 = arith.addf %add3A_8, %get3A_11 : vector<10000x64xf32>
    %get3A_13 = arith.constant 0 : index
    %get3A_14 = arith.constant 0 : index
    %get3A_15 = vector.load %arg4[%get3A_13, %get3A_14] : memref<64x64xf32, #tpu.memory_space<vmem>>, vector<64x64xf32>
    %dot_general3A_16 = arith.constant dense<0.000000e+00> : vector<10000x64xf32>
    %dot_general3A_17 = tpu.matmul %add3A_12, %get3A_15, %dot_general3A_16 {dimension_numbers = #tpu.dot_dimension_numbers<[1], [0], [0], [1], [0, 0, 1, 1], [], []>, transpose_lhs_hint = false} : vector<10000x64xf32>, vector<64x64xf32>, vector<10000x64xf32> -> vector<10000x64xf32>
    %get3A_18 = arith.constant 0 : index
    %get3A_19 = vector.load %arg5[%get3A_18] : memref<64xf32, #tpu.memory_space<vmem>>, vector<64xf32>
    %broadcast_in_dim3A_20 = vector.shape_cast %get3A_19 : vector<64xf32> to vector<1x64xf32>
    %add3A_21 = vector.broadcast %broadcast_in_dim3A_20 : vector<1x64xf32> to vector<10000x64xf32>
    %add3A_22 = arith.addf %dot_general3A_17, %add3A_21 : vector<10000x64xf32>
    %get3A_23 = arith.constant 0 : index
    %get3A_24 = arith.constant 0 : index
    %get3A_25 = vector.load %arg6[%get3A_23, %get3A_24] : memref<64x64xf32, #tpu.memory_space<vmem>>, vector<64x64xf32>
    %dot_general3A_26 = arith.constant dense<0.000000e+00> : vector<10000x64xf32>
    %dot_general3A_27 = tpu.matmul %add3A_12, %get3A_25, %dot_general3A_26 {dimension_numbers = #tpu.dot_dimension_numbers<[1], [0], [0], [1], [0, 0, 1, 1], [], []>, transpose_lhs_hint = false} : vector<10000x64xf32>, vector<64x64xf32>, vector<10000x64xf32> -> vector<10000x64xf32>
    %get3A_28 = arith.constant 0 : index
    %get3A_29 = vector.load %arg7[%get3A_28] : memref<64xf32, #tpu.memory_space<vmem>>, vector<64xf32>
    %broadcast_in_dim3A_30 = vector.shape_cast %get3A_29 : vector<64xf32> to vector<1x64xf32>
    %add3A_31 = vector.broadcast %broadcast_in_dim3A_30 : vector<1x64xf32> to vector<10000x64xf32>
    %add3A_32 = arith.addf %dot_general3A_27, %add3A_31 : vector<10000x64xf32>
    %get3A_33 = arith.constant 0 : index
    %get3A_34 = arith.constant 0 : index
    %get3A_35 = vector.load %arg8[%get3A_33, %get3A_34] : memref<10000x64xf32, #tpu.memory_space<vmem>>, vector<10000x64xf32>
    %mul3A = arith.constant 5.000000e-01 : f32
    %mul3A_36 = vector.broadcast %mul3A : f32 to vector<10000x64xf32>
    %mul3A_37 = arith.mulf %mul3A_36, %add3A_32 : vector<10000x64xf32>
    %exp3A = math.exp %mul3A_37 : vector<10000x64xf32>
    %mul3A_38 = arith.mulf %get3A_35, %exp3A : vector<10000x64xf32>
    %add3A_39 = arith.addf %add3A_22, %mul3A_38 : vector<10000x64xf32>
    %swap3A = arith.constant 0 : index
    %swap3A_40 = arith.constant 0 : index
    %swap3A_41 = vector.load %arg9[%swap3A, %swap3A_40] : memref<10000x64xf32, #tpu.memory_space<vmem>>, vector<10000x64xf32>
    tpu.vector_store %arg9[%swap3A, %swap3A_40], %add3A_39 {strides = array<i32>} : memref<10000x64xf32, #tpu.memory_space<vmem>>, vector<10000x64xf32>,
    %swap3A_42 = arith.constant 0 : index
    %swap3A_43 = arith.constant 0 : index
    %swap3A_44 = vector.load %arg10[%swap3A_42, %swap3A_43] : memref<10000x64xf32, #tpu.memory_space<vmem>>, vector<10000x64xf32>
    tpu.vector_store %arg10[%swap3A_42, %swap3A_43], %add3A_22 {strides = array<i32>} : memref<10000x64xf32, #tpu.memory_space<vmem>>, vector<10000x64xf32>,
    %swap3A_45 = arith.constant 0 : index
    %swap3A_46 = arith.constant 0 : index
    %swap3A_47 = vector.load %arg11[%swap3A_45, %swap3A_46] : memref<10000x64xf32, #tpu.memory_space<vmem>>, vector<10000x64xf32>
    tpu.vector_store %arg11[%swap3A_45, %swap3A_46], %add3A_32 {strides = array<i32>} : memref<10000x64xf32, #tpu.memory_space<vmem>>, vector<10000x64xf32>,
    return
  }
}

</mosaic_0001>

<sc_bundles>
// kernel: kernel.16.cloned.1.call-start
scs
__scs_entry_jumppad:
0x0: {  	(pc) =	sbr.rel $0x88, $3  }
0x1: {  	(tag) =	ssettag $0x0;
	lr =	simm.s32 $0x1  }
0x2: {  	[smem:$0x3F85] =	sst lr;
	_ =	strace $0xD0000000  }
0x3: {  	_ = 	snop  }
0x4: {  	_ = 	snop  }
0x5: {  	_ = 	snop  }
0x6: {  	_ = 	snop  }
0x7: {  	_ = 	snop  }
__scs_overlays_trampoline_lowered:
0x8: {  	[smem:$0x3F94] =	sst s0  }
0x9: {  	[smem:$0x3F95] =	sst s1  }
0xa: {  	[smem:$0x3F96] =	sst s2  }
0xb: {  	[smem:$0x3F97] =	sst s3  }
0xc: {  	[smem:$0x3F98] =	sst s4  }
0xd: {  	[smem:$0x3F99] =	sst s5  }
0xe: {  	[smem:$0x3F9A] =	sst s6  }
0xf: {  	[smem:$0x3F9B] =	sst s7  }
0x10: {  	[smem:$0x3F9C] =	sst s8  }
0x11: {  	[smem:$0x3F9D] =	sst s9;
	s0 =	simm.s32 @!p0 $0x0  }
0x12: {  	s1 =	sld [smem:$0x3F83];
	s0 =	simm.s32 @p0 $0x1  }
0x13: {  	[smem:$0x3F9E] =	sst s0;
	s0 =	simm.s32 @!p1 $0x0  }
0x14: {  	s2 =	sld [smem:$0x3F82];
	s0 =	simm.s32 @p1 $0x1  }
0x15: {  	[smem:$0x3F9F] =	sst s0;
	s0 =	simm.s32 @!p2 $0x0  }
0x16: {  	s3 =	sld [smem:$0x3FDB];
	s0 =	simm.s32 @p2 $0x1  }
0x17: {  	s4 =	simm.s32 $0x1BF5;
	[smem:$0x3FA1] =	sst s0  }
0x18: {  	s0 =	sld [smem:$0x3F84];
	_ =	swait.ge [sflag:s4], $0x0  }
0x19: {  	s7 =	sld [smem:$0x3F85]  }
0x1a: {  	s8 =	sadd.s32 $0xFFFFE003, lr  }
0x1b: {  	s9 =	sadd.s32 $0xFFFFFEF7, lr;
	s5 =	simm.s32 $0xFFFFFFFF;
	p2 =	slt.u32 s8, $0xFFFFF086  }
0x1c: {  	p1 =	slt.u32 s9, $0xF7A;
	s5 =	simm.s32 @!p2 $0x0  }
0x1d: {  	s5 =	simm.s32 @p1 $0x1;
	p0 =	seq.s32 s7, s2  }
0x1e: {  	s7 =	smul.u32 @!p0 $0xF7A, s2;
	p2 =	seq.s32 @!p0 s5, $0x0  }
0x1f: {  	s9 =	smul.u32 $0xF7A, s1;
	s8 =	simm.s32 @!p0 $0x1BF5;
	p2 =	por !p2, p0  }
0x20: {  	[sflag:s8] =	ssyncset.s32 @!p0 $0xFFFFF086;
	s6 =	sadd.s32 @!p0 s3, s7;
	s7 =	simm.s32 @!p0 $0x108  }
0x21: {  	s3 =	sadd.s32 s3, s9;
	s6 =	sadd.s32 @!p0 $0x88, s6;
	s7 =	simm.s32 @p2 $0x1082  }
0x22: {  	[simem:s7], [sflag:s8] =	dma.local @!p0 [hbm:s6], $0xF7A  }
0x23: {  	s9 =	sor.u32 $0xD0000000, s2;
	s6 =	simm.s32 $0x108;
	_ =	swait.ge @!p0 [sflag:s8], $0x0  }
0x24: {  	s3 =	sadd.s32 $0x88, s3;
	s6 =	simm.s32 @!p1 $0x1082;
	[sflag:s4] =	ssyncset.s32 $0xFFFFF086  }
0x25: {  	[simem:s6], [sflag:s4] =	dma.local [hbm:s3], $0xF7A  }
0x26: {  	[smem:$0x3F85] =	sst s1;
	(tag) =	ssettag s2;
	_ =	strace s9  }
0x27: {  	s1 =	sld [smem:$0x3F95]  }
0x28: {  	s2 =	sld [smem:$0x3F96]  }
0x29: {  	s4 =	sld [smem:$0x3F98]  }
0x2a: {  	p0 =	seq.s32 s5, $0x0;
	s5 =	sld [smem:$0x3F99]  }
0x2b: {  	s6 =	sld [smem:$0x3F9A]  }
0x2c: {  	s7 =	sld [smem:$0x3F9B]  }
0x2d: {  	s3 =	simm.s32 $0x108;
	s8 =	sld [smem:$0x3F9C]  }
0x2e: {  	s3 =	simm.s32 @!p0 $0x1082;
	s9 =	sld [smem:$0x3F9D]  }
0x2f: {  	lr =	sadd.s32 s0, s3;
	s0 =	sld [smem:$0x3F94]  }
0x30: {  	s3 =	sld [smem:$0x3F97]  }
0x31: {  	[smem:$0x3FA0] =	sst s10  }
0x32: {  	s10 =	sld [smem:$0x3F9E];
	_ =	sdelay $0x3  }
0x33: {  	p0 =	seq.s32 s10, $0x1;
	s10 =	sld [smem:$0x3FA0];
	_ =	sdelay $0x3  }
0x34: {  	[smem:$0x3FA0] =	sst s10  }
0x35: {  	s10 =	sld [smem:$0x3F9F];
	_ =	sdelay $0x3  }
0x36: {  	p1 =	seq.s32 s10, $0x1;
	s10 =	sld [smem:$0x3FA0];
	_ =	sdelay $0x3  }
0x37: {  	[smem:$0x3FA0] =	sst s10  }
0x38: {  	s10 =	sld [smem:$0x3FA1]  }
0x39: {  	_ = 	snop;
	(pc) =	sbr.ind lr, $3  }
0x3a: {  	_ = 	snop  }
0x3b: {  	_ = 	snop  }
0x3c: {  	p2 =	seq.s32 s10, $0x1;
	s10 =	sld [smem:$0x3FA0]  }
0x3d: {  	_ =	shalt  }
0x3e: {  	_ =	shalt  }
0x3f: {  	_ =	shalt  }
0x40: {  	_ =	shalt  }
0x41: {  	_ =	shalt  }
0x42: {  	_ =	shalt  }
0x43: {  	_ =	shalt  }
0x44: {  	_ =	shalt  }
0x45: {  	_ =	shalt  }
0x46: {  	_ =	shalt  }
0x47: {  	_ =	shalt  }
0x48: {  	_ =	shalt  }
0x49: {  	_ =	shalt  }
0x4a: {  	_ =	shalt  }
0x4b: {  	_ =	shalt  }
0x4c: {  	_ =	shalt  }
0x4d: {  	_ =	shalt  }
0x4e: {  	_ =	shalt  }
0x4f: {  	_ =	shalt  }
0x50: {  	_ =	shalt  }
0x51: {  	_ =	shalt  }
0x52: {  	_ =	shalt  }
0x53: {  	_ =	shalt  }
0x54: {  	_ =	shalt  }
0x55: {  	_ =	shalt  }
0x56: {  	_ =	shalt  }
0x57: {  	_ =	shalt  }
0x58: {  	_ =	shalt  }
0x59: {  	_ =	shalt  }
0x5a: {  	_ =	shalt  }
0x5b: {  	_ =	shalt  }
0x5c: {  	_ =	shalt  }
0x5d: {  	_ =	shalt  }
0x5e: {  	_ =	shalt  }
0x5f: {  	_ =	shalt  }
0x60: {  	_ =	shalt  }
0x61: {  	_ =	shalt  }
0x62: {  	_ =	shalt  }
0x63: {  	_ =	shalt  }
0x64: {  	_ =	shalt  }
0x65: {  	_ =	shalt  }
0x66: {  	_ =	shalt  }
0x67: {  	_ =	shalt  }
0x68: {  	_ =	shalt  }
0x69: {  	_ =	shalt  }
0x6a: {  	_ =	shalt  }
0x6b: {  	_ =	shalt  }
0x6c: {  	_ =	shalt  }
0x6d: {  	_ =	shalt  }
0x6e: {  	_ =	shalt  }
0x6f: {  	_ =	shalt  }
0x70: {  	_ =	shalt  }
0x71: {  	_ =	shalt  }
0x72: {  	_ =	shalt  }
0x73: {  	_ =	shalt  }
0x74: {  	_ =	shalt  }
0x75: {  	_ =	shalt  }
0x76: {  	_ =	shalt  }
0x77: {  	_ =	shalt  }
0x78: {  	_ =	shalt  }
0x79: {  	_ =	shalt  }
0x7a: {  	_ =	shalt  }
0x7b: {  	_ =	shalt  }
0x7c: {  	_ =	shalt  }
0x7d: {  	_ =	shalt  }
0x7e: {  	_ =	shalt  }
0x7f: {  	_ =	shalt  }
0x80: {  	_ =	shalt  }
0x81: {  	_ =	shalt  }
0x82: {  	_ =	shalt  }
0x83: {  	_ =	shalt  }
0x84: {  	_ =	shalt  }
0x85: {  	_ =	shalt  }
0x86: {  	_ =	shalt  }
0x87: {  	_ =	shalt  }
.Lfunc_end0:
.L_simem_size_0:
called_computation_lowered:
.L_overlay_start_0:
0x88: {  	s2 =	sld [smem:$0x3FD9]  }
0x89: {  	s3 =	sld [smem:$0x3FFE];
	_ =	sdelay $0x1  }
0x8a: {  	s1 =	srdreg.scid  }
0x8b: {  	s0 =	sand.u32 $0x1, s1  }
0x8c: {  	s14 =	sshll.u32 s0, $0xA;
	s2 =	sadd.s32 s3, s2  }
0x8d: {  	s2 =	sadd.s32 s2, s14  }
0x8e: {  	[smem:$0x3FAC] =	sst s2  }
0x8f: {  	_ = 	snop  }
0x90: {  	s2 =	sld [smem:$0x3FD0];
	_ =	sdelay $0x2  }
0x91: {  	s15 =	simm.s32 $0xA;
	s4 =	simm.s32 $0x10  }
0x92: {  	[smem:s4], [sflag:s15] =	dma.local [hbm:s2], $0x1  }
0x93: {  	_ =	swait.eq [sflag:s15], $0x1  }
0x94: {  	s16 =	sld [smem:$0x10];
	[sflag:s15] =	ssyncset.done $0x0  }
0x95: {  	s17 =	sld [smem:$0x11];
	[sflag:s15] =	ssyncadd.s32 $0xFFFFFFFF  }
0x96: {  	s18 =	sld [smem:$0x13];
	(tm) =	ssettm $0x1  }
0x97: {  	s5 =	sld [smem:$0x3FFB];
	_ =	sdelay $0x3  }
0x98: {  	_ =	strace s5  }
0x99: {  	s5 =	sld [smem:$0x3FFC];
	_ =	sdelay $0x3  }
0x9a: {  	_ =	strace s5  }
0x9b: {  	s5 =	sld [smem:$0x3FFD];
	_ =	sdelay $0x3  }
0x9c: {  	_ =	strace s5  }
0x9d: {  	_ =	strace $0x8FFFFFFF  }
0x9e: {  	s19 =	sld [smem:$0x3FDB];
	_ =	sdelay $0x1  }
0x9f: {  	s6 =	simm.s32 $_scs_section_size  }
0xa0: {  	s7 =	simm.s32 $_size__tile_overlayer_lowered;
	s8 =	simm.s32 $_tile_overlayer_lowered  }
0xa1: {  	s22 =	simm.s32 $0x1BFF;
	s21 =	sshll.u32 s8, $0x1;
	s5 =	sadd.s32 s6, s19  }
0xa2: {  	s9 =	simm.s32 $0x0;
	s20 =	sshll.u32 s7, $0x1;
	s7 =	sadd.s32 s21, s5  }
0xa3: {  	[timem:s9], [sflag:s22] =	dma.local [hbm:s7], s20  }
0xa4: {  	_ =	swait.ge [sflag:s22], s20  }
0xa5: {  	s6 =	ssub.s32 $0x0, s20;
	[sflag:s22] =	ssyncset.done $0x0  }
0xa6: {  	[sflag:s22] =	ssyncadd.s32 s6;
	_ =	sdelay $0x1  }
0xa7: {  	s23 =	simm.s32 $0x1B8B  }
0xa8: {  	_ =	swait.ge [sflag:s23], $0x1  }
0xa9: {  	[sflag:s23] =	ssyncset.done $0x0  }
0xaa: {  	s25 =	simm.s32 $0x1B8E;
	s24 =	sld [smem:$0x3FFE];
	[sflag:s23] =	ssyncadd.s32 $0xFFFFFFFF  }
0xab: {  	s26 =	simm.s32 $execute0_lowered;
	[smem:$0x3FD2] =	sst s25  }
0xac: {  	s7 =	sshll.u32 s26, $0x1;
	_ =	strace $0x80000046;
	[dreg:$0x1] =	wrdreg $0xFFFFFFFF  }
0xad: {  	s28 =	simm.s32 $_size_execute0_lowered;
	s5 =	sadd.s32 s5, s7;
	[dreg:$0x0] =	wrdreg $0x0  }
0xae: {  	s7 =	sshll.u32 s28, $0x1;
	[dreg:$0x2] =	wrdreg s5  }
0xaf: {  	[dreg:$0x3] =	wrdreg s7  }
0xb0: {  	[dreg:$0x4] =	wrdreg $0xC0  }
0xb1: {  	_ =	task [dreg:s9], $0x5FFFF  }
0xb2: {  	[dreg:$0x1] =	wrdreg $0xFFFFFFFF  }
0xb3: {  	[dreg:$0x0] =	wrdreg $0x60  }
0xb4: {  	[dreg:$0x2] =	wrdreg s17  }
0xb5: {  	[dreg:$0x3] =	wrdreg s18  }
0xb6: {  	[dreg:$0x4] =	wrdreg s24  }
0xb7: {  	[dreg:$0x5] =	wrdreg s16  }
0xb8: {  	[dreg:$0x6] =	wrdreg $0x40800  }
0xb9: {  	[dreg:$0x7] =	wrdreg $0x9  }
0xba: {  	_ =	task.clear_ibuf [dreg:s9], $0x8FFFF;
	_ =	strace $0x90000046  }
0xbb: {  	s29 =	simm.s32 $0x9;
	_ =	strace $0x80000048  }
0xbc: {  	_ =	swait.ge [sflag:s29], $0x1  }
0xbd: {  	[sflag:s29] =	ssyncadd.s32 $0xFFFFFFFF  }
0xbe: {  	_ =	strace $0x90000048  }
0xbf: {  	_ =	sfence  }
0xc0: {  	s30 =	sld [smem:$0x0];
	_ =	sdelay $0x2  }
0xc1: {  	s31 =	sshll.u32 s1, $0xD;
	s1 =	sshrl.u32 s1, $0x2  }
0xc2: {  	s3 =	sand.u32 $0x4000, s31;
	s1 =	sadd.s32 s1, s30  }
0xc3: {  	s0 =	sor.u32 s3, s0;
	s1 =	sshll.u32 s1, $0x11  }
0xc4: {  	s0 =	sor.u32 s1, s0  }
0xc5: {  	s0 =	sadd.s32 $0x8F2B, s0  }
0xc6: {  	[sflag:s0] =	ssyncadd.remote.s32 $0x1  }
0xc7: {  	_ =	sfence.sel $0xFFFF  }
0xc8: {  	[dreg:$0x0] =	wrdreg $0xFFFFFFFF;
	(pc) =	sbr.abs _section_cstart, $3  }
0xc9: {  	[dreg:$0x1] =	wrdreg $0xFFFFFFFF  }
0xca: {  	_ =	task.clear_ibuf [dreg:s9], $0x2FFFF;
	_ =	strace $0x9FFFFFFF  }
0xcb: {  	(tm) =	ssettm $0x7FFFFFFF  }
tec
execute0_lowered:
.L_overlay_start_1:
0x0: {  	(tag) =	ssettag $0x1  }
0x1: {  	s5 =	rddreg [dreg:$0x0]  }
0x2: {  	s1 =	rddreg [dreg:$0x1]  }
0x3: {  	s4 =	rddreg [dreg:$0x2]  }
0x4: {  	s6 =	rddreg [dreg:$0x3]  }
0x5: {  	s2 =	rddreg [dreg:$0x4]  }
0x6: {  	s7 =	srdreg.scid;
	s0 =	rddreg [dreg:$0x5];
	s3 =	simm.s32 $0x0  }
0x7: {  	s9 =	stileid.u32;
	s12 =	simm.s32 $0x0;
	s7 =	sand.u32 $0x1, s7  }
0x8: {  	[smem:$0x7FF] =	sst s3;
	s4 =	sadd.s32 $0x8600, s4;
	s31 =	sshll.u32 s9, $0xB  }
0x9: {  	p0 =	sne.s32 s9, $0x0;
	s9 =	simm.s32 $0x4000;
	s8 =	ssub.s32 $0x2, s7  }
0xa: {  	_ =	strace $0x80000047;
	s11 =	sshll.u32 s7, $0xF;
	s5 =	sadd.s32 s5, s31  }
0xb: {  	s7 =	sshll.u32 s7, $0x4;
	s10 =	sshrl.u32 s8, $0x1;
	s5 =	sadd.s32 s11, s5  }
0xc: {  	s6 =	sadd.s32 s6, s7;
	s11 =	simm.s32 $0x50;
	s8 =	ssub.s32 s8, s10  }
0xd: {  	s10 =	sshrl.u32 @!p0 s2, $0x3;
	s7 =	smax.u32 s8, $0x1;
	s8 =	simm.s32 $0x1  }
.LBB2_1:
0xe: {  	[tilespmem:s3], [sflag:$0x1] =	stream.linear.gather [hbm4b:s5+s3], $0x3E80, $0x38;
	[tilespmem:$0x42F8] =	vst v63  }
0xf: {  	_ =	swait.ge [sflag:s8], $0x3E80  }
0x10: {  	[sflag:s8] =	ssyncset.done $0x0  }
0x11: {  	[sflag:s8] =	ssyncadd.s32 $0xFFFFC180  }
0x12: {  	[tilespmem:s9], [sflag:$0x1] =	stream.linear.gather [hbm4b:s1+s3], $0x80, $0x38;
	[tilespmem:$0x42F8] =	vst v63  }
0x13: {  	_ =	swait.ge [sflag:s8], $0x80  }
0x14: {  	[sflag:s8] =	ssyncset.done $0x0  }
0x15: {  	s13 =	simm.s32 @!p0 $0x1C01;
	[sflag:s8] =	ssyncadd.s32 $0xFFFFFF80  }
0x16: {  	[spmem:s10], [sflag:s13] =	dma.local @!p0 [hbm:s4], $0x4F0  }
0x17: {  	s13 =	simm.s32 @!p0 $0x1  }
0x18: {  	_ =	swait.ge @!p0 [sflag:s13], $0x4F0  }
0x19: {  	[sflag:s13] =	ssyncset.done @!p0 $0x0  }
0x1a: {  	[sflag:s13] =	ssyncadd.s32 @!p0 $0xFFFFFB10  }
0x1b: {  	s31 =	simm.s32 $0x0;
	[bflag:$0x0] =	sbarrier.arrive $0xFFFF  }
0x1c: {  	[spmem:s2] =	stream.indirect.scatter.add.f32 [tilespmem:s9], [sflag:$0x1], $0x1, s31, s11, $0xb8;
	[tilespmem:$0x42F8] =	vst v63  }
0x1d: {  	_ =	swait.ge [sflag:s8], $0x50  }
0x1e: {  	s13 =	simm.s32 $0x200;
	[sflag:s8] =	ssyncset.done $0x0  }
.LBB2_2:
0x1f: {  	s14 =	sshra.s32 s13, $0x2;
	[sflag:s8] =	ssyncadd.s32 $0xFFFFFFB0;
	p1 =	sne.s32 s13, $0xF800  }
0x20: {  	[spmem:s2] =	stream.indirect.scatter.add.f32 [tilespmem:s9], [sflag:$0x1], $0x1, s14, s11, $0xb8;
	[tilespmem:$0x42F8] =	vst v63  }
.Ltmp0:
0x21: {  	_ = 	snop;
	(pc) =	sbr.rel @p1 .LBB2_2-.Ltmp0, $4  }
0x22: {  	_ = 	snop  }
0x23: {  	s13 =	sadd.s32 $0x200, s13  }
0x24: {  	_ =	swait.ge [sflag:s8], $0x50  }
0x25: {  	[sflag:s8] =	ssyncset.done $0x0  }
0x26: {  	[sflag:s8] =	ssyncadd.s32 $0xFFFFFFB0;
	s13 =	simm.s32 @!p0 $0x1;
	s12 =	sadd.s32 $0x1, s12  }
0x27: {  	s14 =	simm.s32 @!p0 $0x20;
	s15 =	simm.s32 @!p0 $0x10;
	p1 =	sne.s32 s12, s7  }
.Ltmp1:
0x28: {  	s16 =	simm.s32 @!p0 $0x1C01;
	[bflag:$0x0] =	sbarrier.arrive $0xFFFF;
	(pc) =	sbr.rel @p1 .LBB2_1-.Ltmp1, $4  }
0x29: {  	[hbm:s6@s14], [sflag:s16] =	dma.strided @!p0 [spmem:s10@s15], $0x4F0, s13, $0x10   }
0x2a: {  	_ =	swait.ge @!p0 [sflag:s13], $0x4F0  }
0x2b: {  	[sflag:s13] =	ssyncset.done @!p0 $0x0  }
0x2c: {  	[sflag:s13] =	ssyncadd.s32 @!p0 $0xFFFFFB10  }
0x2d: {  	_ =	sfence.sel $0x180000  }
0x2e: {  	[bflag:$0x0] =	sbarrier.arrive $0xFFFF  }
0x2f: {  	_ =	strace $0x90000047  }
0x30: {  	s0 =	sadd.s32 @!p0 $0x100000, s0;
	[bflag:$0x2] =	sbarrier.arrive $0xFFFF  }
0x31: {  	[sflag:s0] =	ssyncadd.tile.s32 @!p0 $0x1;
	_ =	shalt  }
.Lfunc_end2:
_tile_overlayer_lowered:
.L_overlay_start_2:
0x32: {  	(tag) =	ssettag $0x2  }
0x33: {  	s0 =	rddreg [dreg:$0x0];
	s2 =	stileid.u32  }
0x34: {  	s1 =	rddreg [dreg:$0x1];
	p0 =	sne.s32 s2, $0x0  }
0x35: {  	s3 =	rddreg [dreg:$0x2];
	[bflag:$0x3] =	sbarrier.arrive $0xFFFF;
	s2 =	simm.s32 @!p0 $0x1C01  }
0x36: {  	[timem:s3], [sflag:s2] =	dma.local @!p0 [hbm:s0], s1  }
0x37: {  	s0 =	simm.s32 @!p0 $0x1  }
0x38: {  	_ =	swait.ge @!p0 [sflag:s0], s1  }
0x39: {  	s1 =	ssub.s32 @!p0 $0x0, s1;
	[sflag:s0] =	ssyncset.done @!p0 $0x0  }
0x3a: {  	[sflag:s0] =	ssyncadd.s32 @!p0 s1  }
0x3b: {  	[bflag:$0x3] =	sbarrier.arrive $0xFFFF  }
0x3c: {  	_ =	shalt  }

// kernel: kernel.19.cloned.1.call-start
scs
__scs_entry_jumppad:
0x0: {  	(pc) =	sbr.rel $0x88, $3  }
0x1: {  	(tag) =	ssettag $0x0;
	lr =	simm.s32 $0x1  }
0x2: {  	[smem:$0x3F85] =	sst lr;
	_ =	strace $0xD0000000  }
0x3: {  	_ = 	snop  }
0x4: {  	_ = 	snop  }
0x5: {  	_ = 	snop  }
0x6: {  	_ = 	snop  }
0x7: {  	_ = 	snop  }
__scs_overlays_trampoline_lowered:
0x8: {  	[smem:$0x3F94] =	sst s0  }
0x9: {  	[smem:$0x3F95] =	sst s1  }
0xa: {  	[smem:$0x3F96] =	sst s2  }
0xb: {  	[smem:$0x3F97] =	sst s3  }
0xc: {  	[smem:$0x3F98] =	sst s4  }
0xd: {  	[smem:$0x3F99] =	sst s5  }
0xe: {  	[smem:$0x3F9A] =	sst s6  }
0xf: {  	[smem:$0x3F9B] =	sst s7  }
0x10: {  	[smem:$0x3F9C] =	sst s8  }
0x11: {  	[smem:$0x3F9D] =	sst s9;
	s0 =	simm.s32 @!p0 $0x0  }
0x12: {  	s1 =	sld [smem:$0x3F83];
	s0 =	simm.s32 @p0 $0x1  }
0x13: {  	[smem:$0x3F9E] =	sst s0;
	s0 =	simm.s32 @!p1 $0x0  }
0x14: {  	s2 =	sld [smem:$0x3F82];
	s0 =	simm.s32 @p1 $0x1  }
0x15: {  	[smem:$0x3F9F] =	sst s0;
	s0 =	simm.s32 @!p2 $0x0  }
0x16: {  	s3 =	sld [smem:$0x3FDB];
	s0 =	simm.s32 @p2 $0x1  }
0x17: {  	s4 =	simm.s32 $0x1BF5;
	[smem:$0x3FA1] =	sst s0  }
0x18: {  	s0 =	sld [smem:$0x3F84];
	_ =	swait.ge [sflag:s4], $0x0  }
0x19: {  	s7 =	sld [smem:$0x3F85]  }
0x1a: {  	s8 =	sadd.s32 $0xFFFFE003, lr  }
0x1b: {  	s9 =	sadd.s32 $0xFFFFFEF7, lr;
	s5 =	simm.s32 $0xFFFFFFFF;
	p2 =	slt.u32 s8, $0xFFFFF086  }
0x1c: {  	p1 =	slt.u32 s9, $0xF7A;
	s5 =	simm.s32 @!p2 $0x0  }
0x1d: {  	s5 =	simm.s32 @p1 $0x1;
	p0 =	seq.s32 s7, s2  }
0x1e: {  	s7 =	smul.u32 @!p0 $0xF7A, s2;
	p2 =	seq.s32 @!p0 s5, $0x0  }
0x1f: {  	s9 =	smul.u32 $0xF7A, s1;
	s8 =	simm.s32 @!p0 $0x1BF5;
	p2 =	por !p2, p0  }
0x20: {  	[sflag:s8] =	ssyncset.s32 @!p0 $0xFFFFF086;
	s6 =	sadd.s32 @!p0 s3, s7;
	s7 =	simm.s32 @!p0 $0x108  }
0x21: {  	s3 =	sadd.s32 s3, s9;
	s6 =	sadd.s32 @!p0 $0x88, s6;
	s7 =	simm.s32 @p2 $0x1082  }
0x22: {  	[simem:s7], [sflag:s8] =	dma.local @!p0 [hbm:s6], $0xF7A  }
0x23: {  	s9 =	sor.u32 $0xD0000000, s2;
	s6 =	simm.s32 $0x108;
	_ =	swait.ge @!p0 [sflag:s8], $0x0  }
0x24: {  	s3 =	sadd.s32 $0x88, s3;
	s6 =	simm.s32 @!p1 $0x1082;
	[sflag:s4] =	ssyncset.s32 $0xFFFFF086  }
0x25: {  	[simem:s6], [sflag:s4] =	dma.local [hbm:s3], $0xF7A  }
0x26: {  	[smem:$0x3F85] =	sst s1;
	(tag) =	ssettag s2;
	_ =	strace s9  }
0x27: {  	s1 =	sld [smem:$0x3F95]  }
0x28: {  	s2 =	sld [smem:$0x3F96]  }
0x29: {  	s4 =	sld [smem:$0x3F98]  }
0x2a: {  	p0 =	seq.s32 s5, $0x0;
	s5 =	sld [smem:$0x3F99]  }
0x2b: {  	s6 =	sld [smem:$0x3F9A]  }
0x2c: {  	s7 =	sld [smem:$0x3F9B]  }
0x2d: {  	s3 =	simm.s32 $0x108;
	s8 =	sld [smem:$0x3F9C]  }
0x2e: {  	s3 =	simm.s32 @!p0 $0x1082;
	s9 =	sld [smem:$0x3F9D]  }
0x2f: {  	lr =	sadd.s32 s0, s3;
	s0 =	sld [smem:$0x3F94]  }
0x30: {  	s3 =	sld [smem:$0x3F97]  }
0x31: {  	[smem:$0x3FA0] =	sst s10  }
0x32: {  	s10 =	sld [smem:$0x3F9E];
	_ =	sdelay $0x3  }
0x33: {  	p0 =	seq.s32 s10, $0x1;
	s10 =	sld [smem:$0x3FA0];
	_ =	sdelay $0x3  }
0x34: {  	[smem:$0x3FA0] =	sst s10  }
0x35: {  	s10 =	sld [smem:$0x3F9F];
	_ =	sdelay $0x3  }
0x36: {  	p1 =	seq.s32 s10, $0x1;
	s10 =	sld [smem:$0x3FA0];
	_ =	sdelay $0x3  }
0x37: {  	[smem:$0x3FA0] =	sst s10  }
0x38: {  	s10 =	sld [smem:$0x3FA1]  }
0x39: {  	_ = 	snop;
	(pc) =	sbr.ind lr, $3  }
0x3a: {  	_ = 	snop  }
0x3b: {  	_ = 	snop  }
0x3c: {  	p2 =	seq.s32 s10, $0x1;
	s10 =	sld [smem:$0x3FA0]  }
0x3d: {  	_ =	shalt  }
0x3e: {  	_ =	shalt  }
0x3f: {  	_ =	shalt  }
0x40: {  	_ =	shalt  }
0x41: {  	_ =	shalt  }
0x42: {  	_ =	shalt  }
0x43: {  	_ =	shalt  }
0x44: {  	_ =	shalt  }
0x45: {  	_ =	shalt  }
0x46: {  	_ =	shalt  }
0x47: {  	_ =	shalt  }
0x48: {  	_ =	shalt  }
0x49: {  	_ =	shalt  }
0x4a: {  	_ =	shalt  }
0x4b: {  	_ =	shalt  }
0x4c: {  	_ =	shalt  }
0x4d: {  	_ =	shalt  }
0x4e: {  	_ =	shalt  }
0x4f: {  	_ =	shalt  }
0x50: {  	_ =	shalt  }
0x51: {  	_ =	shalt  }
0x52: {  	_ =	shalt  }
0x53: {  	_ =	shalt  }
0x54: {  	_ =	shalt  }
0x55: {  	_ =	shalt  }
0x56: {  	_ =	shalt  }
0x57: {  	_ =	shalt  }
0x58: {  	_ =	shalt  }
0x59: {  	_ =	shalt  }
0x5a: {  	_ =	shalt  }
0x5b: {  	_ =	shalt  }
0x5c: {  	_ =	shalt  }
0x5d: {  	_ =	shalt  }
0x5e: {  	_ =	shalt  }
0x5f: {  	_ =	shalt  }
0x60: {  	_ =	shalt  }
0x61: {  	_ =	shalt  }
0x62: {  	_ =	shalt  }
0x63: {  	_ =	shalt  }
0x64: {  	_ =	shalt  }
0x65: {  	_ =	shalt  }
0x66: {  	_ =	shalt  }
0x67: {  	_ =	shalt  }
0x68: {  	_ =	shalt  }
0x69: {  	_ =	shalt  }
0x6a: {  	_ =	shalt  }
0x6b: {  	_ =	shalt  }
0x6c: {  	_ =	shalt  }
0x6d: {  	_ =	shalt  }
0x6e: {  	_ =	shalt  }
0x6f: {  	_ =	shalt  }
0x70: {  	_ =	shalt  }
0x71: {  	_ =	shalt  }
0x72: {  	_ =	shalt  }
0x73: {  	_ =	shalt  }
0x74: {  	_ =	shalt  }
0x75: {  	_ =	shalt  }
0x76: {  	_ =	shalt  }
0x77: {  	_ =	shalt  }
0x78: {  	_ =	shalt  }
0x79: {  	_ =	shalt  }
0x7a: {  	_ =	shalt  }
0x7b: {  	_ =	shalt  }
0x7c: {  	_ =	shalt  }
0x7d: {  	_ =	shalt  }
0x7e: {  	_ =	shalt  }
0x7f: {  	_ =	shalt  }
0x80: {  	_ =	shalt  }
0x81: {  	_ =	shalt  }
0x82: {  	_ =	shalt  }
0x83: {  	_ =	shalt  }
0x84: {  	_ =	shalt  }
0x85: {  	_ =	shalt  }
0x86: {  	_ =	shalt  }
0x87: {  	_ =	shalt  }
.Lfunc_end0:
.L_simem_size_0:
called_computation.1_lowered:
.L_overlay_start_0:
0x88: {  	s2 =	sld [smem:$0x3FD9]  }
0x89: {  	s3 =	sld [smem:$0x3FFE];
	_ =	sdelay $0x1  }
0x8a: {  	s1 =	srdreg.scid  }
0x8b: {  	s0 =	sand.u32 $0x1, s1  }
0x8c: {  	s14 =	sshll.u32 s0, $0xA;
	s2 =	sadd.s32 s3, s2  }
0x8d: {  	s2 =	sadd.s32 s2, s14  }
0x8e: {  	[smem:$0x3FAC] =	sst s2  }
0x8f: {  	_ = 	snop  }
0x90: {  	s2 =	sld [smem:$0x3FD0];
	_ =	sdelay $0x2  }
0x91: {  	s15 =	simm.s32 $0xA;
	s4 =	simm.s32 $0x10  }
0x92: {  	[smem:s4], [sflag:s15] =	dma.local [hbm:s2], $0x1  }
0x93: {  	_ =	swait.eq [sflag:s15], $0x1  }
0x94: {  	[sflag:s15] =	ssyncset.done $0x0  }
0x95: {  	s16 =	sld [smem:$0x11];
	[sflag:s15] =	ssyncadd.s32 $0xFFFFFFFF  }
0x96: {  	s17 =	sld [smem:$0x12];
	(tm) =	ssettm $0x1  }
0x97: {  	s18 =	sld [smem:$0x3FFB];
	_ =	sdelay $0x3  }
0x98: {  	_ =	strace s18  }
0x99: {  	s4 =	sld [smem:$0x3FFC];
	_ =	sdelay $0x3  }
0x9a: {  	_ =	strace s4  }
0x9b: {  	s4 =	sld [smem:$0x3FFD];
	_ =	sdelay $0x3  }
0x9c: {  	_ =	strace s4  }
0x9d: {  	_ =	strace $0x8FFFFFFF  }
0x9e: {  	s19 =	sld [smem:$0x3FDB];
	_ =	sdelay $0x1  }
0x9f: {  	s5 =	simm.s32 $_scs_section_size  }
0xa0: {  	s6 =	simm.s32 $_size__tile_overlayer_lowered;
	s7 =	simm.s32 $_tile_overlayer_lowered  }
0xa1: {  	s22 =	simm.s32 $0x1BFF;
	s21 =	sshll.u32 s7, $0x1;
	s4 =	sadd.s32 s5, s19  }
0xa2: {  	s8 =	simm.s32 $0x0;
	s20 =	sshll.u32 s6, $0x1;
	s6 =	sadd.s32 s21, s4  }
0xa3: {  	[timem:s8], [sflag:s22] =	dma.local [hbm:s6], s20  }
0xa4: {  	_ =	swait.ge [sflag:s22], s20  }
0xa5: {  	s5 =	ssub.s32 $0x0, s20;
	[sflag:s22] =	ssyncset.done $0x0  }
0xa6: {  	[sflag:s22] =	ssyncadd.s32 s5;
	_ =	sdelay $0x1  }
0xa7: {  	s23 =	simm.s32 $0x1B8B  }
0xa8: {  	_ =	swait.ge [sflag:s23], $0x1  }
0xa9: {  	[sflag:s23] =	ssyncset.done $0x0  }
0xaa: {  	s25 =	simm.s32 $0x1B8E;
	s24 =	sld [smem:$0x3FFE];
	[sflag:s23] =	ssyncadd.s32 $0xFFFFFFFF  }
0xab: {  	s26 =	simm.s32 $execute0_lowered;
	[smem:$0x3FD2] =	sst s25  }
0xac: {  	s6 =	sshll.u32 s26, $0x1;
	_ =	strace $0x80000049;
	[dreg:$0x1] =	wrdreg $0xFFFFFFFF  }
0xad: {  	s28 =	simm.s32 $_size_execute0_lowered;
	s4 =	sadd.s32 s4, s6;
	[dreg:$0x0] =	wrdreg $0x0  }
0xae: {  	s6 =	sshll.u32 s28, $0x1;
	[dreg:$0x2] =	wrdreg s4  }
0xaf: {  	[dreg:$0x3] =	wrdreg s6  }
0xb0: {  	[dreg:$0x4] =	wrdreg $0xC0  }
0xb1: {  	_ =	task [dreg:s8], $0x5FFFF  }
0xb2: {  	[dreg:$0x1] =	wrdreg $0xFFFFFFFF  }
0xb3: {  	[dreg:$0x0] =	wrdreg $0x60  }
0xb4: {  	[dreg:$0x2] =	wrdreg s17  }
0xb5: {  	[dreg:$0x3] =	wrdreg s16  }
0xb6: {  	[dreg:$0x4] =	wrdreg s24  }
0xb7: {  	[dreg:$0x5] =	wrdreg $0xA8000  }
0xb8: {  	[dreg:$0x6] =	wrdreg $0x9  }
0xb9: {  	_ =	task.clear_ibuf [dreg:s8], $0x7FFFF;
	_ =	strace $0x90000049  }
0xba: {  	s29 =	simm.s32 $0x9;
	_ =	strace $0x8000004B  }
0xbb: {  	_ =	swait.ge [sflag:s29], $0x1  }
0xbc: {  	[sflag:s29] =	ssyncadd.s32 $0xFFFFFFFF  }
0xbd: {  	_ =	strace $0x9000004B  }
0xbe: {  	_ =	sfence  }
0xbf: {  	s30 =	sld [smem:$0x0];
	_ =	sdelay $0x2  }
0xc0: {  	s31 =	sshll.u32 s1, $0xD;
	s1 =	sshrl.u32 s1, $0x2  }
0xc1: {  	s3 =	sand.u32 $0x4000, s31;
	s1 =	sadd.s32 s1, s30  }
0xc2: {  	s0 =	sor.u32 s3, s0;
	s1 =	sshll.u32 s1, $0x11  }
0xc3: {  	s0 =	sor.u32 s1, s0  }
0xc4: {  	s0 =	sadd.s32 $0x8F2B, s0  }
0xc5: {  	[sflag:s0] =	ssyncadd.remote.s32 $0x1  }
0xc6: {  	_ =	sfence.sel $0xFFFF  }
0xc7: {  	[dreg:$0x0] =	wrdreg $0xFFFFFFFF;
	(pc) =	sbr.abs _section_cstart, $3  }
0xc8: {  	[dreg:$0x1] =	wrdreg $0xFFFFFFFF  }
0xc9: {  	_ =	task.clear_ibuf [dreg:s8], $0x2FFFF;
	_ =	strace $0x9FFFFFFF  }
0xca: {  	(tm) =	ssettm $0x7FFFFFFF  }
0xcb: {  	_ =	shalt  }
tec
execute0_lowered:
.L_overlay_start_1:
0x0: {  	(tag) =	ssettag $0x1  }
0x1: {  	s7 =	rddreg [dreg:$0x0]  }
0x2: {  	s8 =	rddreg [dreg:$0x1]  }
0x3: {  	s5 =	rddreg [dreg:$0x2]  }
0x4: {  	s2 =	rddreg [dreg:$0x3]  }
0x5: {  	s0 =	rddreg [dreg:$0x4];
	s3 =	simm.s32 $0x0;
	s1 =	stileid.u32  }
0x6: {  	s4 =	srdreg.scid;
	s15 =	simm.s32 $0x8000;
	s16 =	simm.s32 $0x1  }
0x7: {  	s17 =	simm.s32 $0x0;
	[smem:$0x7FF] =	sst s3;
	s6 =	smul.u32 $0x2800, s1  }
0x8: {  	s9 =	sand.u32 $0x1, s4;
	s4 =	sadd.s32 $0x8600, s5;
	s12 =	smul.u32 $0x50000, s1  }
0x9: {  	s30 =	sshll.u32 s1, $0xB;
	s31 =	sshll.u32 s1, $0x6;
	_ =	strace $0x8000004A  }
0xa: {  	s10 =	smul.u32 $0x28000, s9;
	s11 =	ssub.s32 $0x2, s9;
	s29 =	sshll.u32 s9, $0xF  }
0xb: {  	s13 =	sadd.s32 s6, s5;
	s25 =	sshrl.u32 s11, $0x1;
	s26 =	sshrl.u32 s12, $0x2  }
0xc: {  	s9 =	sor.u32 s30, s29;
	s12 =	simm.s32 $0x2;
	s6 =	sadd.s32 s6, s10  }
0xd: {  	s10 =	ssub.s32 s11, s25;
	s28 =	sadd.s32 s26, s2;
	s7 =	sadd.s32 s7, s9  }
0xe: {  	s8 =	sadd.s32 s8, s9;
	s14 =	sadd.s32 s6, s5;
	s5 =	sadd.s32 $0x2F800, s13  }
0xf: {  	s6 =	sor.u32 $0x1C02, s31;
	s10 =	smax.u32 s10, $0x1;
	s11 =	sshrl.u32 s28, $0x3  }
0x10: {  	s13 =	simm.s32 $0x4000;
	s9 =	sadd.s32 $0x57800, s14;
	s14 =	simm.s32 $0x50  }
.LBB2_1:
0x11: {  	[spmem:s11], [sflag:s6] =	dma.local [hbm:s5], $0x2800  }
0x12: {  	_ =	swait.ge [sflag:s12], $0x2800  }
0x13: {  	[sflag:s12] =	ssyncset.done $0x0  }
0x14: {  	[sflag:s12] =	ssyncadd.s32 $0xFFFFD800  }
0x15: {  	[tilespmem:s3], [sflag:$0x2] =	stream.linear.gather [hbm4b:s7+s3], $0x3E80, $0x38;
	[tilespmem:$0x1E800] =	vst v63  }
0x16: {  	_ =	swait.ge [sflag:s12], $0x3E80  }
0x17: {  	[sflag:s12] =	ssyncset.done $0x0  }
0x18: {  	[sflag:s12] =	ssyncadd.s32 $0xFFFFC180  }
0x19: {  	[tilespmem:s13], [sflag:$0x2] =	stream.linear.gather [hbm4b:s8+s3], $0x3E80, $0x38;
	[tilespmem:$0x1E800] =	vst v63  }
0x1a: {  	_ =	swait.ge [sflag:s12], $0x3E80  }
0x1b: {  	[sflag:s12] =	ssyncset.done $0x0  }
0x1c: {  	[sflag:s12] =	ssyncadd.s32 $0xFFFFC180  }
0x1d: {  	s18 =	simm.s32 $0x0;
	[bflag:$0x0] =	sbarrier.arrive $0xFFFF  }
0x1e: {  	[tilespmem:s15], [sflag:$0x1] =	stream.indirect.gather [hbm4b:s4+s14], $0x80, s18, s14, $0xb8;
	[tilespmem:$0x1E800] =	vst v63  }
0x1f: {  	_ =	swait.ge [sflag:s16], $0x2800  }
0x20: {  	[sflag:s16] =	ssyncset.done $0x0  }
0x21: {  	s31 =	simm.s32 $0x4000;
	[sflag:s16] =	ssyncadd.s32 $0xFFFFD800  }
0x22: {  	[spmem:s2] =	stream.indirect.scatter.add.f32 [tilespmem:s15], [sflag:$0x2], $0x80, s31, s14, $0xb8;
	[tilespmem:$0x1E800] =	vst v63  }
0x23: {  	_ =	swait.ge [sflag:s12], $0x2800  }
0x24: {  	s19 =	simm.s32 $0x400;
	s18 =	simm.s32 $0x200;
	[sflag:s12] =	ssyncset.done $0x0  }
.LBB2_2:
0x25: {  	s20 =	sshra.s32 s18, $0x2  }
0x26: {  	[sflag:s12] =	ssyncadd.s32 $0xFFFFD800;
	s18 =	smov.u32 s19;
	s21 =	sadd.s32 $0x200, s19  }
0x27: {  	[tilespmem:s15], [sflag:$0x1] =	stream.indirect.gather [hbm4b:s4+s14], $0x80, s20, s14, $0xb8;
	[tilespmem:$0x1E800] =	vst v63  }
0x28: {  	p0 =	sne.s32 s19, $0xF800;
	_ =	swait.ge [sflag:s16], $0x2800  }
.Ltmp0:
0x29: {  	[sflag:s16] =	ssyncset.done $0x0;
	(pc) =	sbr.rel @p0 .LBB2_2-.Ltmp0, $4  }
0x2a: {  	s19 =	sadd.s32 $0x4000, s20;
	[sflag:s16] =	ssyncadd.s32 $0xFFFFD800  }
0x2b: {  	[spmem:s2] =	stream.indirect.scatter.add.f32 [tilespmem:s15], [sflag:$0x2], $0x80, s19, s14, $0xb8;
	[tilespmem:$0x1E800] =	vst v63  }
0x2c: {  	_ =	swait.ge [sflag:s12], $0x2800  }
0x2d: {  	s19 =	smov.u32 s21;
	[sflag:s12] =	ssyncset.done $0x0  }
0x2e: {  	s18 =	sshra.s32 s18, $0x2;
	[sflag:s12] =	ssyncadd.s32 $0xFFFFD800  }
0x2f: {  	[tilespmem:s15], [sflag:$0x1] =	stream.indirect.gather [hbm4b:s4+s14], $0x80, s18, s14, $0xb8;
	[tilespmem:$0x1E800] =	vst v63  }
0x30: {  	_ =	swait.ge [sflag:s16], $0x2800  }
0x31: {  	[sflag:s16] =	ssyncset.done $0x0  }
0x32: {  	s18 =	sadd.s32 $0x4000, s18;
	[sflag:s16] =	ssyncadd.s32 $0xFFFFD800  }
0x33: {  	[spmem:s2] =	stream.indirect.scatter.add.f32 [tilespmem:s15], [sflag:$0x2], $0x80, s18, s14, $0xb8;
	[tilespmem:$0x1E800] =	vst v63  }
0x34: {  	_ =	swait.ge [sflag:s12], $0x2800  }
0x35: {  	s17 =	sadd.s32 $0x1, s17;
	[sflag:s12] =	ssyncset.done $0x0  }
0x36: {  	p0 =	sne.s32 s17, s10;
	[sflag:s12] =	ssyncadd.s32 $0xFFFFD800  }
.Ltmp1:
0x37: {  	[bflag:$0x0] =	sbarrier.arrive $0xFFFF;
	(pc) =	sbr.rel @p0 .LBB2_1-.Ltmp1, $4  }
0x38: {  	[hbm:s9], [sflag:s6] =	dma.local [spmem:s11], $0x2800  }
0x39: {  	_ =	swait.ge [sflag:s12], $0x2800  }
0x3a: {  	[sflag:s12] =	ssyncset.done $0x0  }
0x3b: {  	[sflag:s12] =	ssyncadd.s32 $0xFFFFD800  }
0x3c: {  	_ =	sfence.sel $0x180000  }
0x3d: {  	[bflag:$0x0] =	sbarrier.arrive $0xFFFF  }
0x3e: {  	p0 =	sne.s32 s1, $0x0;
	_ =	strace $0x9000004A  }
0x3f: {  	s0 =	sadd.s32 @!p0 $0x100000, s0;
	[bflag:$0x2] =	sbarrier.arrive $0xFFFF  }
0x40: {  	[sflag:s0] =	ssyncadd.tile.s32 @!p0 $0x1;
	_ =	shalt  }
.Lfunc_end2:
_tile_overlayer_lowered:
.L_overlay_start_2:
0x41: {  	(tag) =	ssettag $0x2  }
0x42: {  	s0 =	rddreg [dreg:$0x0];
	s2 =	stileid.u32  }
0x43: {  	s1 =	rddreg [dreg:$0x1];
	p0 =	sne.s32 s2, $0x0  }
0x44: {  	s3 =	rddreg [dreg:$0x2];
	[bflag:$0x3] =	sbarrier.arrive $0xFFFF;
	s2 =	simm.s32 @!p0 $0x1C02  }
0x45: {  	[timem:s3], [sflag:s2] =	dma.local @!p0 [hbm:s0], s1  }
0x46: {  	s0 =	simm.s32 @!p0 $0x2  }
0x47: {  	_ =	swait.ge @!p0 [sflag:s0], s1  }
0x48: {  	s1 =	ssub.s32 @!p0 $0x0, s1;
	[sflag:s0] =	ssyncset.done @!p0 $0x0  }
0x49: {  	[sflag:s0] =	ssyncadd.s32 @!p0 s1  }
0x4a: {  	[bflag:$0x3] =	sbarrier.arrive $0xFFFF  }
0x4b: {  	_ =	shalt  }

// kernel: kernel.22.cloned.1.call-start
scs
__scs_entry_jumppad:
0x0: {  	(pc) =	sbr.rel $0x88, $3  }
0x1: {  	(tag) =	ssettag $0x0;
	lr =	simm.s32 $0x1  }
0x2: {  	[smem:$0x3F85] =	sst lr;
	_ =	strace $0xD0000000  }
0x3: {  	_ = 	snop  }
0x4: {  	_ = 	snop  }
0x5: {  	_ = 	snop  }
0x6: {  	_ = 	snop  }
0x7: {  	_ = 	snop  }
__scs_overlays_trampoline_lowered:
0x8: {  	[smem:$0x3F94] =	sst s0  }
0x9: {  	[smem:$0x3F95] =	sst s1  }
0xa: {  	[smem:$0x3F96] =	sst s2  }
0xb: {  	[smem:$0x3F97] =	sst s3  }
0xc: {  	[smem:$0x3F98] =	sst s4  }
0xd: {  	[smem:$0x3F99] =	sst s5  }
0xe: {  	[smem:$0x3F9A] =	sst s6  }
0xf: {  	[smem:$0x3F9B] =	sst s7  }
0x10: {  	[smem:$0x3F9C] =	sst s8  }
0x11: {  	[smem:$0x3F9D] =	sst s9;
	s0 =	simm.s32 @!p0 $0x0  }
0x12: {  	s1 =	sld [smem:$0x3F83];
	s0 =	simm.s32 @p0 $0x1  }
0x13: {  	[smem:$0x3F9E] =	sst s0;
	s0 =	simm.s32 @!p1 $0x0  }
0x14: {  	s2 =	sld [smem:$0x3F82];
	s0 =	simm.s32 @p1 $0x1  }
0x15: {  	[smem:$0x3F9F] =	sst s0;
	s0 =	simm.s32 @!p2 $0x0  }
0x16: {  	s3 =	sld [smem:$0x3FDB];
	s0 =	simm.s32 @p2 $0x1  }
0x17: {  	s4 =	simm.s32 $0x1BF5;
	[smem:$0x3FA1] =	sst s0  }
0x18: {  	s0 =	sld [smem:$0x3F84];
	_ =	swait.ge [sflag:s4], $0x0  }
0x19: {  	s7 =	sld [smem:$0x3F85]  }
0x1a: {  	s8 =	sadd.s32 $0xFFFFE003, lr  }
0x1b: {  	s9 =	sadd.s32 $0xFFFFFEF7, lr;
	s5 =	simm.s32 $0xFFFFFFFF;
	p2 =	slt.u32 s8, $0xFFFFF086  }
0x1c: {  	p1 =	slt.u32 s9, $0xF7A;
	s5 =	simm.s32 @!p2 $0x0  }
0x1d: {  	s5 =	simm.s32 @p1 $0x1;
	p0 =	seq.s32 s7, s2  }
0x1e: {  	s7 =	smul.u32 @!p0 $0xF7A, s2;
	p2 =	seq.s32 @!p0 s5, $0x0  }
0x1f: {  	s9 =	smul.u32 $0xF7A, s1;
	s8 =	simm.s32 @!p0 $0x1BF5;
	p2 =	por !p2, p0  }
0x20: {  	[sflag:s8] =	ssyncset.s32 @!p0 $0xFFFFF086;
	s6 =	sadd.s32 @!p0 s3, s7;
	s7 =	simm.s32 @!p0 $0x108  }
0x21: {  	s3 =	sadd.s32 s3, s9;
	s6 =	sadd.s32 @!p0 $0x88, s6;
	s7 =	simm.s32 @p2 $0x1082  }
0x22: {  	[simem:s7], [sflag:s8] =	dma.local @!p0 [hbm:s6], $0xF7A  }
0x23: {  	s9 =	sor.u32 $0xD0000000, s2;
	s6 =	simm.s32 $0x108;
	_ =	swait.ge @!p0 [sflag:s8], $0x0  }
0x24: {  	s3 =	sadd.s32 $0x88, s3;
	s6 =	simm.s32 @!p1 $0x1082;
	[sflag:s4] =	ssyncset.s32 $0xFFFFF086  }
0x25: {  	[simem:s6], [sflag:s4] =	dma.local [hbm:s3], $0xF7A  }
0x26: {  	[smem:$0x3F85] =	sst s1;
	(tag) =	ssettag s2;
	_ =	strace s9  }
0x27: {  	s1 =	sld [smem:$0x3F95]  }
0x28: {  	s2 =	sld [smem:$0x3F96]  }
0x29: {  	s4 =	sld [smem:$0x3F98]  }
0x2a: {  	p0 =	seq.s32 s5, $0x0;
	s5 =	sld [smem:$0x3F99]  }
0x2b: {  	s6 =	sld [smem:$0x3F9A]  }
0x2c: {  	s7 =	sld [smem:$0x3F9B]  }
0x2d: {  	s3 =	simm.s32 $0x108;
	s8 =	sld [smem:$0x3F9C]  }
0x2e: {  	s3 =	simm.s32 @!p0 $0x1082;
	s9 =	sld [smem:$0x3F9D]  }
0x2f: {  	lr =	sadd.s32 s0, s3;
	s0 =	sld [smem:$0x3F94]  }
0x30: {  	s3 =	sld [smem:$0x3F97]  }
0x31: {  	[smem:$0x3FA0] =	sst s10  }
0x32: {  	s10 =	sld [smem:$0x3F9E];
	_ =	sdelay $0x3  }
0x33: {  	p0 =	seq.s32 s10, $0x1;
	s10 =	sld [smem:$0x3FA0];
	_ =	sdelay $0x3  }
0x34: {  	[smem:$0x3FA0] =	sst s10  }
0x35: {  	s10 =	sld [smem:$0x3F9F];
	_ =	sdelay $0x3  }
0x36: {  	p1 =	seq.s32 s10, $0x1;
	s10 =	sld [smem:$0x3FA0];
	_ =	sdelay $0x3  }
0x37: {  	[smem:$0x3FA0] =	sst s10  }
0x38: {  	s10 =	sld [smem:$0x3FA1]  }
0x39: {  	_ = 	snop;
	(pc) =	sbr.ind lr, $3  }
0x3a: {  	_ = 	snop  }
0x3b: {  	_ = 	snop  }
0x3c: {  	p2 =	seq.s32 s10, $0x1;
	s10 =	sld [smem:$0x3FA0]  }
0x3d: {  	_ =	shalt  }
0x3e: {  	_ =	shalt  }
0x3f: {  	_ =	shalt  }
0x40: {  	_ =	shalt  }
0x41: {  	_ =	shalt  }
0x42: {  	_ =	shalt  }
0x43: {  	_ =	shalt  }
0x44: {  	_ =	shalt  }
0x45: {  	_ =	shalt  }
0x46: {  	_ =	shalt  }
0x47: {  	_ =	shalt  }
0x48: {  	_ =	shalt  }
0x49: {  	_ =	shalt  }
0x4a: {  	_ =	shalt  }
0x4b: {  	_ =	shalt  }
0x4c: {  	_ =	shalt  }
0x4d: {  	_ =	shalt  }
0x4e: {  	_ =	shalt  }
0x4f: {  	_ =	shalt  }
0x50: {  	_ =	shalt  }
0x51: {  	_ =	shalt  }
0x52: {  	_ =	shalt  }
0x53: {  	_ =	shalt  }
0x54: {  	_ =	shalt  }
0x55: {  	_ =	shalt  }
0x56: {  	_ =	shalt  }
0x57: {  	_ =	shalt  }
0x58: {  	_ =	shalt  }
0x59: {  	_ =	shalt  }
0x5a: {  	_ =	shalt  }
0x5b: {  	_ =	shalt  }
0x5c: {  	_ =	shalt  }
0x5d: {  	_ =	shalt  }
0x5e: {  	_ =	shalt  }
0x5f: {  	_ =	shalt  }
0x60: {  	_ =	shalt  }
0x61: {  	_ =	shalt  }
0x62: {  	_ =	shalt  }
0x63: {  	_ =	shalt  }
0x64: {  	_ =	shalt  }
0x65: {  	_ =	shalt  }
0x66: {  	_ =	shalt  }
0x67: {  	_ =	shalt  }
0x68: {  	_ =	shalt  }
0x69: {  	_ =	shalt  }
0x6a: {  	_ =	shalt  }
0x6b: {  	_ =	shalt  }
0x6c: {  	_ =	shalt  }
0x6d: {  	_ =	shalt  }
0x6e: {  	_ =	shalt  }
0x6f: {  	_ =	shalt  }
0x70: {  	_ =	shalt  }
0x71: {  	_ =	shalt  }
0x72: {  	_ =	shalt  }
0x73: {  	_ =	shalt  }
0x74: {  	_ =	shalt  }
0x75: {  	_ =	shalt  }
0x76: {  	_ =	shalt  }
0x77: {  	_ =	shalt  }
0x78: {  	_ =	shalt  }
0x79: {  	_ =	shalt  }
0x7a: {  	_ =	shalt  }
0x7b: {  	_ =	shalt  }
0x7c: {  	_ =	shalt  }
0x7d: {  	_ =	shalt  }
0x7e: {  	_ =	shalt  }
0x7f: {  	_ =	shalt  }
0x80: {  	_ =	shalt  }
0x81: {  	_ =	shalt  }
0x82: {  	_ =	shalt  }
0x83: {  	_ =	shalt  }
0x84: {  	_ =	shalt  }
0x85: {  	_ =	shalt  }
0x86: {  	_ =	shalt  }
0x87: {  	_ =	shalt  }
.Lfunc_end0:
.L_simem_size_0:
called_computation.2_lowered:
.L_overlay_start_0:
0x88: {  	s2 =	sld [smem:$0x3FD9]  }
0x89: {  	s3 =	sld [smem:$0x3FFE];
	_ =	sdelay $0x1  }
0x8a: {  	s1 =	srdreg.scid  }
0x8b: {  	s0 =	sand.u32 $0x1, s1  }
0x8c: {  	s14 =	sshll.u32 s0, $0xA;
	s2 =	sadd.s32 s3, s2  }
0x8d: {  	s2 =	sadd.s32 s2, s14  }
0x8e: {  	[smem:$0x3FAC] =	sst s2  }
0x8f: {  	_ = 	snop  }
0x90: {  	s2 =	sld [smem:$0x3FD0];
	_ =	sdelay $0x2  }
0x91: {  	s15 =	simm.s32 $0xA;
	s4 =	simm.s32 $0x10  }
0x92: {  	[smem:s4], [sflag:s15] =	dma.local [hbm:s2], $0x1  }
0x93: {  	_ =	swait.eq [sflag:s15], $0x1  }
0x94: {  	[sflag:s15] =	ssyncset.done $0x0  }
0x95: {  	s16 =	sld [smem:$0x11];
	[sflag:s15] =	ssyncadd.s32 $0xFFFFFFFF  }
0x96: {  	s17 =	sld [smem:$0x12];
	(tm) =	ssettm $0x1  }
0x97: {  	s18 =	sld [smem:$0x3FFB];
	_ =	sdelay $0x3  }
0x98: {  	_ =	strace s18  }
0x99: {  	s4 =	sld [smem:$0x3FFC];
	_ =	sdelay $0x3  }
0x9a: {  	_ =	strace s4  }
0x9b: {  	s4 =	sld [smem:$0x3FFD];
	_ =	sdelay $0x3  }
0x9c: {  	_ =	strace s4  }
0x9d: {  	_ =	strace $0x8FFFFFFF  }
0x9e: {  	s19 =	sld [smem:$0x3FDB];
	_ =	sdelay $0x1  }
0x9f: {  	s5 =	simm.s32 $_scs_section_size  }
0xa0: {  	s6 =	simm.s32 $_size__tile_overlayer_lowered;
	s7 =	simm.s32 $_tile_overlayer_lowered  }
0xa1: {  	s22 =	simm.s32 $0x1BFF;
	s21 =	sshll.u32 s7, $0x1;
	s4 =	sadd.s32 s5, s19  }
0xa2: {  	s8 =	simm.s32 $0x0;
	s20 =	sshll.u32 s6, $0x1;
	s6 =	sadd.s32 s21, s4  }
0xa3: {  	[timem:s8], [sflag:s22] =	dma.local [hbm:s6], s20  }
0xa4: {  	_ =	swait.ge [sflag:s22], s20  }
0xa5: {  	s5 =	ssub.s32 $0x0, s20;
	[sflag:s22] =	ssyncset.done $0x0  }
0xa6: {  	[sflag:s22] =	ssyncadd.s32 s5;
	_ =	sdelay $0x1  }
0xa7: {  	s23 =	simm.s32 $0x1B8B  }
0xa8: {  	_ =	swait.ge [sflag:s23], $0x1  }
0xa9: {  	[sflag:s23] =	ssyncset.done $0x0  }
0xaa: {  	s25 =	simm.s32 $0x1B8E;
	s24 =	sld [smem:$0x3FFE];
	[sflag:s23] =	ssyncadd.s32 $0xFFFFFFFF  }
0xab: {  	s26 =	simm.s32 $execute0_lowered;
	[smem:$0x3FD2] =	sst s25  }
0xac: {  	s6 =	sshll.u32 s26, $0x1;
	_ =	strace $0x8000004C;
	[dreg:$0x1] =	wrdreg $0xFFFFFFFF  }
0xad: {  	s28 =	simm.s32 $_size_execute0_lowered;
	s4 =	sadd.s32 s4, s6;
	[dreg:$0x0] =	wrdreg $0x0  }
0xae: {  	s6 =	sshll.u32 s28, $0x1;
	[dreg:$0x2] =	wrdreg s4  }
0xaf: {  	[dreg:$0x3] =	wrdreg s6  }
0xb0: {  	[dreg:$0x4] =	wrdreg $0xC0  }
0xb1: {  	_ =	task [dreg:s8], $0x5FFFF  }
0xb2: {  	[dreg:$0x1] =	wrdreg $0xFFFFFFFF  }
0xb3: {  	[dreg:$0x0] =	wrdreg $0x60  }
0xb4: {  	[dreg:$0x2] =	wrdreg s17  }
0xb5: {  	[dreg:$0x3] =	wrdreg s16  }
0xb6: {  	[dreg:$0x4] =	wrdreg s24  }
0xb7: {  	[dreg:$0x5] =	wrdreg $0xA8000  }
0xb8: {  	[dreg:$0x6] =	wrdreg $0x9  }
0xb9: {  	_ =	task.clear_ibuf [dreg:s8], $0x7FFFF;
	_ =	strace $0x9000004C  }
0xba: {  	s29 =	simm.s32 $0x9;
	_ =	strace $0x8000004E  }
0xbb: {  	_ =	swait.ge [sflag:s29], $0x1  }
0xbc: {  	[sflag:s29] =	ssyncadd.s32 $0xFFFFFFFF  }
0xbd: {  	_ =	strace $0x9000004E  }
0xbe: {  	_ =	sfence  }
0xbf: {  	s30 =	sld [smem:$0x0];
	_ =	sdelay $0x2  }
0xc0: {  	s31 =	sshll.u32 s1, $0xD;
	s1 =	sshrl.u32 s1, $0x2  }
0xc1: {  	s3 =	sand.u32 $0x4000, s31;
	s1 =	sadd.s32 s1, s30  }
0xc2: {  	s0 =	sor.u32 s3, s0;
	s1 =	sshll.u32 s1, $0x11  }
0xc3: {  	s0 =	sor.u32 s1, s0  }
0xc4: {  	s0 =	sadd.s32 $0x8F2B, s0  }
0xc5: {  	[sflag:s0] =	ssyncadd.remote.s32 $0x1  }
0xc6: {  	_ =	sfence.sel $0xFFFF  }
0xc7: {  	[dreg:$0x0] =	wrdreg $0xFFFFFFFF;
	(pc) =	sbr.abs _section_cstart, $3  }
0xc8: {  	[dreg:$0x1] =	wrdreg $0xFFFFFFFF  }
0xc9: {  	_ =	task.clear_ibuf [dreg:s8], $0x2FFFF;
	_ =	strace $0x9FFFFFFF  }
0xca: {  	(tm) =	ssettm $0x7FFFFFFF  }
0xcb: {  	_ =	shalt  }
tec
execute0_lowered:
.L_overlay_start_1:
0x0: {  	(tag) =	ssettag $0x1  }
0x1: {  	s7 =	rddreg [dreg:$0x0]  }
0x2: {  	s8 =	rddreg [dreg:$0x1]  }
0x3: {  	s5 =	rddreg [dreg:$0x2]  }
0x4: {  	s2 =	rddreg [dreg:$0x3]  }
0x5: {  	s0 =	rddreg [dreg:$0x4];
	s3 =	simm.s32 $0x0;
	s1 =	stileid.u32  }
0x6: {  	s4 =	srdreg.scid;
	s15 =	simm.s32 $0x8000;
	s16 =	simm.s32 $0x1  }
0x7: {  	s17 =	simm.s32 $0x0;
	[smem:$0x7FF] =	sst s3;
	s6 =	smul.u32 $0x2800, s1  }
0x8: {  	s9 =	sand.u32 $0x1, s4;
	s4 =	sadd.s32 $0x8600, s5;
	s12 =	smul.u32 $0x50000, s1  }
0x9: {  	s30 =	sshll.u32 s1, $0xB;
	s31 =	sshll.u32 s1, $0x6;
	_ =	strace $0x8000004D  }
0xa: {  	s10 =	smul.u32 $0x28000, s9;
	s11 =	ssub.s32 $0x2, s9;
	s29 =	sshll.u32 s9, $0xF  }
0xb: {  	s13 =	sadd.s32 s6, s5;
	s25 =	sshrl.u32 s11, $0x1;
	s26 =	sshrl.u32 s12, $0x2  }
0xc: {  	s9 =	sor.u32 s30, s29;
	s12 =	simm.s32 $0x2;
	s6 =	sadd.s32 s6, s10  }
0xd: {  	s10 =	ssub.s32 s11, s25;
	s28 =	sadd.s32 s26, s2;
	s7 =	sadd.s32 s7, s9  }
0xe: {  	s8 =	sadd.s32 s8, s9;
	s14 =	sadd.s32 s6, s5;
	s5 =	sadd.s32 $0x2F800, s13  }
0xf: {  	s6 =	sor.u32 $0x1C02, s31;
	s10 =	smax.u32 s10, $0x1;
	s11 =	sshrl.u32 s28, $0x3  }
0x10: {  	s13 =	simm.s32 $0x4000;
	s9 =	sadd.s32 $0x7EA00, s14;
	s14 =	simm.s32 $0x50  }
.LBB2_1:
0x11: {  	[spmem:s11], [sflag:s6] =	dma.local [hbm:s5], $0x2800  }
0x12: {  	_ =	swait.ge [sflag:s12], $0x2800  }
0x13: {  	[sflag:s12] =	ssyncset.done $0x0  }
0x14: {  	[sflag:s12] =	ssyncadd.s32 $0xFFFFD800  }
0x15: {  	[tilespmem:s3], [sflag:$0x2] =	stream.linear.gather [hbm4b:s7+s3], $0x3E80, $0x38;
	[tilespmem:$0x1E800] =	vst v63  }
0x16: {  	_ =	swait.ge [sflag:s12], $0x3E80  }
0x17: {  	[sflag:s12] =	ssyncset.done $0x0  }
0x18: {  	[sflag:s12] =	ssyncadd.s32 $0xFFFFC180  }
0x19: {  	[tilespmem:s13], [sflag:$0x2] =	stream.linear.gather [hbm4b:s8+s3], $0x3E80, $0x38;
	[tilespmem:$0x1E800] =	vst v63  }
0x1a: {  	_ =	swait.ge [sflag:s12], $0x3E80  }
0x1b: {  	[sflag:s12] =	ssyncset.done $0x0  }
0x1c: {  	[sflag:s12] =	ssyncadd.s32 $0xFFFFC180  }
0x1d: {  	s18 =	simm.s32 $0x0;
	[bflag:$0x0] =	sbarrier.arrive $0xFFFF  }
0x1e: {  	[tilespmem:s15], [sflag:$0x1] =	stream.indirect.gather [hbm4b:s4+s14], $0x80, s18, s14, $0xb8;
	[tilespmem:$0x1E800] =	vst v63  }
0x1f: {  	_ =	swait.ge [sflag:s16], $0x2800  }
0x20: {  	[sflag:s16] =	ssyncset.done $0x0  }
0x21: {  	s31 =	simm.s32 $0x4000;
	[sflag:s16] =	ssyncadd.s32 $0xFFFFD800  }
0x22: {  	[spmem:s2] =	stream.indirect.scatter.add.f32 [tilespmem:s15], [sflag:$0x2], $0x80, s31, s14, $0xb8;
	[tilespmem:$0x1E800] =	vst v63  }
0x23: {  	_ =	swait.ge [sflag:s12], $0x2800  }
0x24: {  	s19 =	simm.s32 $0x400;
	s18 =	simm.s32 $0x200;
	[sflag:s12] =	ssyncset.done $0x0  }
.LBB2_2:
0x25: {  	s20 =	sshra.s32 s18, $0x2  }
0x26: {  	[sflag:s12] =	ssyncadd.s32 $0xFFFFD800;
	s18 =	smov.u32 s19;
	s21 =	sadd.s32 $0x200, s19  }
0x27: {  	[tilespmem:s15], [sflag:$0x1] =	stream.indirect.gather [hbm4b:s4+s14], $0x80, s20, s14, $0xb8;
	[tilespmem:$0x1E800] =	vst v63  }
0x28: {  	p0 =	sne.s32 s19, $0xF800;
	_ =	swait.ge [sflag:s16], $0x2800  }
.Ltmp0:
0x29: {  	[sflag:s16] =	ssyncset.done $0x0;
	(pc) =	sbr.rel @p0 .LBB2_2-.Ltmp0, $4  }
0x2a: {  	s19 =	sadd.s32 $0x4000, s20;
	[sflag:s16] =	ssyncadd.s32 $0xFFFFD800  }
0x2b: {  	[spmem:s2] =	stream.indirect.scatter.add.f32 [tilespmem:s15], [sflag:$0x2], $0x80, s19, s14, $0xb8;
	[tilespmem:$0x1E800] =	vst v63  }
0x2c: {  	_ =	swait.ge [sflag:s12], $0x2800  }
0x2d: {  	s19 =	smov.u32 s21;
	[sflag:s12] =	ssyncset.done $0x0  }
0x2e: {  	s18 =	sshra.s32 s18, $0x2;
	[sflag:s12] =	ssyncadd.s32 $0xFFFFD800  }
0x2f: {  	[tilespmem:s15], [sflag:$0x1] =	stream.indirect.gather [hbm4b:s4+s14], $0x80, s18, s14, $0xb8;
	[tilespmem:$0x1E800] =	vst v63  }
0x30: {  	_ =	swait.ge [sflag:s16], $0x2800  }
0x31: {  	[sflag:s16] =	ssyncset.done $0x0  }
0x32: {  	s18 =	sadd.s32 $0x4000, s18;
	[sflag:s16] =	ssyncadd.s32 $0xFFFFD800  }
0x33: {  	[spmem:s2] =	stream.indirect.scatter.add.f32 [tilespmem:s15], [sflag:$0x2], $0x80, s18, s14, $0xb8;
	[tilespmem:$0x1E800] =	vst v63  }
0x34: {  	_ =	swait.ge [sflag:s12], $0x2800  }
0x35: {  	s17 =	sadd.s32 $0x1, s17;
	[sflag:s12] =	ssyncset.done $0x0  }
0x36: {  	p0 =	sne.s32 s17, s10;
	[sflag:s12] =	ssyncadd.s32 $0xFFFFD800  }
.Ltmp1:
0x37: {  	[bflag:$0x0] =	sbarrier.arrive $0xFFFF;
	(pc) =	sbr.rel @p0 .LBB2_1-.Ltmp1, $4  }
0x38: {  	[hbm:s9], [sflag:s6] =	dma.local [spmem:s11], $0x2800  }
0x39: {  	_ =	swait.ge [sflag:s12], $0x2800  }
0x3a: {  	[sflag:s12] =	ssyncset.done $0x0  }
0x3b: {  	[sflag:s12] =	ssyncadd.s32 $0xFFFFD800  }
0x3c: {  	_ =	sfence.sel $0x180000  }
0x3d: {  	[bflag:$0x0] =	sbarrier.arrive $0xFFFF  }
0x3e: {  	p0 =	sne.s32 s1, $0x0;
	_ =	strace $0x9000004D  }
0x3f: {  	s0 =	sadd.s32 @!p0 $0x100000, s0;
	[bflag:$0x2] =	sbarrier.arrive $0xFFFF  }
0x40: {  	[sflag:s0] =	ssyncadd.tile.s32 @!p0 $0x1;
	_ =	shalt  }
.Lfunc_end2:
_tile_overlayer_lowered:
.L_overlay_start_2:
0x41: {  	(tag) =	ssettag $0x2  }
0x42: {  	s0 =	rddreg [dreg:$0x0];
	s2 =	stileid.u32  }
0x43: {  	s1 =	rddreg [dreg:$0x1];
	p0 =	sne.s32 s2, $0x0  }
0x44: {  	s3 =	rddreg [dreg:$0x2];
	[bflag:$0x3] =	sbarrier.arrive $0xFFFF;
	s2 =	simm.s32 @!p0 $0x1C02  }
0x45: {  	[timem:s3], [sflag:s2] =	dma.local @!p0 [hbm:s0], s1  }
0x46: {  	s0 =	simm.s32 @!p0 $0x2  }
0x47: {  	_ =	swait.ge @!p0 [sflag:s0], s1  }
0x48: {  	s1 =	ssub.s32 @!p0 $0x0, s1;
	[sflag:s0] =	ssyncset.done @!p0 $0x0  }
0x49: {  	[sflag:s0] =	ssyncadd.s32 @!p0 s1  }
0x4a: {  	[bflag:$0x3] =	sbarrier.arrive $0xFFFF  }
0x4b: {  	_ =	shalt  }

// kernel: kernel.25.cloned.1.call-start
scs
__scs_entry_jumppad:
0x0: {  	(pc) =	sbr.rel $0x88, $3  }
0x1: {  	(tag) =	ssettag $0x0;
	lr =	simm.s32 $0x1  }
0x2: {  	[smem:$0x3F85] =	sst lr;
	_ =	strace $0xD0000000  }
0x3: {  	_ = 	snop  }
0x4: {  	_ = 	snop  }
0x5: {  	_ = 	snop  }
0x6: {  	_ = 	snop  }
0x7: {  	_ = 	snop  }
__scs_overlays_trampoline_lowered:
0x8: {  	[smem:$0x3F94] =	sst s0  }
0x9: {  	[smem:$0x3F95] =	sst s1  }
0xa: {  	[smem:$0x3F96] =	sst s2  }
0xb: {  	[smem:$0x3F97] =	sst s3  }
0xc: {  	[smem:$0x3F98] =	sst s4  }
0xd: {  	[smem:$0x3F99] =	sst s5  }
0xe: {  	[smem:$0x3F9A] =	sst s6  }
0xf: {  	[smem:$0x3F9B] =	sst s7  }
0x10: {  	[smem:$0x3F9C] =	sst s8  }
0x11: {  	[smem:$0x3F9D] =	sst s9;
	s0 =	simm.s32 @!p0 $0x0  }
0x12: {  	s1 =	sld [smem:$0x3F83];
	s0 =	simm.s32 @p0 $0x1  }
0x13: {  	[smem:$0x3F9E] =	sst s0;
	s0 =	simm.s32 @!p1 $0x0  }
0x14: {  	s2 =	sld [smem:$0x3F82];
	s0 =	simm.s32 @p1 $0x1  }
0x15: {  	[smem:$0x3F9F] =	sst s0;
	s0 =	simm.s32 @!p2 $0x0  }
0x16: {  	s3 =	sld [smem:$0x3FDB];
	s0 =	simm.s32 @p2 $0x1  }
0x17: {  	s4 =	simm.s32 $0x1BF5;
	[smem:$0x3FA1] =	sst s0  }
0x18: {  	s0 =	sld [smem:$0x3F84];
	_ =	swait.ge [sflag:s4], $0x0  }
0x19: {  	s7 =	sld [smem:$0x3F85]  }
0x1a: {  	s8 =	sadd.s32 $0xFFFFE003, lr  }
0x1b: {  	s9 =	sadd.s32 $0xFFFFFEF7, lr;
	s5 =	simm.s32 $0xFFFFFFFF;
	p2 =	slt.u32 s8, $0xFFFFF086  }
0x1c: {  	p1 =	slt.u32 s9, $0xF7A;
	s5 =	simm.s32 @!p2 $0x0  }
0x1d: {  	s5 =	simm.s32 @p1 $0x1;
	p0 =	seq.s32 s7, s2  }
0x1e: {  	s7 =	smul.u32 @!p0 $0xF7A, s2;
	p2 =	seq.s32 @!p0 s5, $0x0  }
0x1f: {  	s9 =	smul.u32 $0xF7A, s1;
	s8 =	simm.s32 @!p0 $0x1BF5;
	p2 =	por !p2, p0  }
0x20: {  	[sflag:s8] =	ssyncset.s32 @!p0 $0xFFFFF086;
	s6 =	sadd.s32 @!p0 s3, s7;
	s7 =	simm.s32 @!p0 $0x108  }
0x21: {  	s3 =	sadd.s32 s3, s9;
	s6 =	sadd.s32 @!p0 $0x88, s6;
	s7 =	simm.s32 @p2 $0x1082  }
0x22: {  	[simem:s7], [sflag:s8] =	dma.local @!p0 [hbm:s6], $0xF7A  }
0x23: {  	s9 =	sor.u32 $0xD0000000, s2;
	s6 =	simm.s32 $0x108;
	_ =	swait.ge @!p0 [sflag:s8], $0x0  }
0x24: {  	s3 =	sadd.s32 $0x88, s3;
	s6 =	simm.s32 @!p1 $0x1082;
	[sflag:s4] =	ssyncset.s32 $0xFFFFF086  }
0x25: {  	[simem:s6], [sflag:s4] =	dma.local [hbm:s3], $0xF7A  }
0x26: {  	[smem:$0x3F85] =	sst s1;
	(tag) =	ssettag s2;
	_ =	strace s9  }
0x27: {  	s1 =	sld [smem:$0x3F95]  }
0x28: {  	s2 =	sld [smem:$0x3F96]  }
0x29: {  	s4 =	sld [smem:$0x3F98]  }
0x2a: {  	p0 =	seq.s32 s5, $0x0;
	s5 =	sld [smem:$0x3F99]  }
0x2b: {  	s6 =	sld [smem:$0x3F9A]  }
0x2c: {  	s7 =	sld [smem:$0x3F9B]  }
0x2d: {  	s3 =	simm.s32 $0x108;
	s8 =	sld [smem:$0x3F9C]  }
0x2e: {  	s3 =	simm.s32 @!p0 $0x1082;
	s9 =	sld [smem:$0x3F9D]  }
0x2f: {  	lr =	sadd.s32 s0, s3;
	s0 =	sld [smem:$0x3F94]  }
0x30: {  	s3 =	sld [smem:$0x3F97]  }
0x31: {  	[smem:$0x3FA0] =	sst s10  }
0x32: {  	s10 =	sld [smem:$0x3F9E];
	_ =	sdelay $0x3  }
0x33: {  	p0 =	seq.s32 s10, $0x1;
	s10 =	sld [smem:$0x3FA0];
	_ =	sdelay $0x3  }
0x34: {  	[smem:$0x3FA0] =	sst s10  }
0x35: {  	s10 =	sld [smem:$0x3F9F];
	_ =	sdelay $0x3  }
0x36: {  	p1 =	seq.s32 s10, $0x1;
	s10 =	sld [smem:$0x3FA0];
	_ =	sdelay $0x3  }
0x37: {  	[smem:$0x3FA0] =	sst s10  }
0x38: {  	s10 =	sld [smem:$0x3FA1]  }
0x39: {  	_ = 	snop;
	(pc) =	sbr.ind lr, $3  }
0x3a: {  	_ = 	snop  }
0x3b: {  	_ = 	snop  }
0x3c: {  	p2 =	seq.s32 s10, $0x1;
	s10 =	sld [smem:$0x3FA0]  }
0x3d: {  	_ =	shalt  }
0x3e: {  	_ =	shalt  }
0x3f: {  	_ =	shalt  }
0x40: {  	_ =	shalt  }
0x41: {  	_ =	shalt  }
0x42: {  	_ =	shalt  }
0x43: {  	_ =	shalt  }
0x44: {  	_ =	shalt  }
0x45: {  	_ =	shalt  }
0x46: {  	_ =	shalt  }
0x47: {  	_ =	shalt  }
0x48: {  	_ =	shalt  }
0x49: {  	_ =	shalt  }
0x4a: {  	_ =	shalt  }
0x4b: {  	_ =	shalt  }
0x4c: {  	_ =	shalt  }
0x4d: {  	_ =	shalt  }
0x4e: {  	_ =	shalt  }
0x4f: {  	_ =	shalt  }
0x50: {  	_ =	shalt  }
0x51: {  	_ =	shalt  }
0x52: {  	_ =	shalt  }
0x53: {  	_ =	shalt  }
0x54: {  	_ =	shalt  }
0x55: {  	_ =	shalt  }
0x56: {  	_ =	shalt  }
0x57: {  	_ =	shalt  }
0x58: {  	_ =	shalt  }
0x59: {  	_ =	shalt  }
0x5a: {  	_ =	shalt  }
0x5b: {  	_ =	shalt  }
0x5c: {  	_ =	shalt  }
0x5d: {  	_ =	shalt  }
0x5e: {  	_ =	shalt  }
0x5f: {  	_ =	shalt  }
0x60: {  	_ =	shalt  }
0x61: {  	_ =	shalt  }
0x62: {  	_ =	shalt  }
0x63: {  	_ =	shalt  }
0x64: {  	_ =	shalt  }
0x65: {  	_ =	shalt  }
0x66: {  	_ =	shalt  }
0x67: {  	_ =	shalt  }
0x68: {  	_ =	shalt  }
0x69: {  	_ =	shalt  }
0x6a: {  	_ =	shalt  }
0x6b: {  	_ =	shalt  }
0x6c: {  	_ =	shalt  }
0x6d: {  	_ =	shalt  }
0x6e: {  	_ =	shalt  }
0x6f: {  	_ =	shalt  }
0x70: {  	_ =	shalt  }
0x71: {  	_ =	shalt  }
0x72: {  	_ =	shalt  }
0x73: {  	_ =	shalt  }
0x74: {  	_ =	shalt  }
0x75: {  	_ =	shalt  }
0x76: {  	_ =	shalt  }
0x77: {  	_ =	shalt  }
0x78: {  	_ =	shalt  }
0x79: {  	_ =	shalt  }
0x7a: {  	_ =	shalt  }
0x7b: {  	_ =	shalt  }
0x7c: {  	_ =	shalt  }
0x7d: {  	_ =	shalt  }
0x7e: {  	_ =	shalt  }
0x7f: {  	_ =	shalt  }
0x80: {  	_ =	shalt  }
0x81: {  	_ =	shalt  }
0x82: {  	_ =	shalt  }
0x83: {  	_ =	shalt  }
0x84: {  	_ =	shalt  }
0x85: {  	_ =	shalt  }
0x86: {  	_ =	shalt  }
0x87: {  	_ =	shalt  }
.Lfunc_end0:
.L_simem_size_0:
called_computation.3_lowered:
.L_overlay_start_0:
0x88: {  	s2 =	sld [smem:$0x3FD9]  }
0x89: {  	s3 =	sld [smem:$0x3FFE];
	_ =	sdelay $0x1  }
0x8a: {  	s1 =	srdreg.scid  }
0x8b: {  	s0 =	sand.u32 $0x1, s1  }
0x8c: {  	s14 =	sshll.u32 s0, $0xA;
	s2 =	sadd.s32 s3, s2  }
0x8d: {  	s2 =	sadd.s32 s2, s14  }
0x8e: {  	[smem:$0x3FAC] =	sst s2  }
0x8f: {  	_ = 	snop  }
0x90: {  	s2 =	sld [smem:$0x3FD0];
	_ =	sdelay $0x2  }
0x91: {  	s15 =	simm.s32 $0xA;
	s4 =	simm.s32 $0x10  }
0x92: {  	[smem:s4], [sflag:s15] =	dma.local [hbm:s2], $0x1  }
0x93: {  	_ =	swait.eq [sflag:s15], $0x1  }
0x94: {  	[sflag:s15] =	ssyncset.done $0x0  }
0x95: {  	s16 =	sld [smem:$0x11];
	[sflag:s15] =	ssyncadd.s32 $0xFFFFFFFF  }
0x96: {  	s17 =	sld [smem:$0x12];
	(tm) =	ssettm $0x1  }
0x97: {  	s18 =	sld [smem:$0x3FFB];
	_ =	sdelay $0x3  }
0x98: {  	_ =	strace s18  }
0x99: {  	s4 =	sld [smem:$0x3FFC];
	_ =	sdelay $0x3  }
0x9a: {  	_ =	strace s4  }
0x9b: {  	s4 =	sld [smem:$0x3FFD];
	_ =	sdelay $0x3  }
0x9c: {  	_ =	strace s4  }
0x9d: {  	_ =	strace $0x8FFFFFFF  }
0x9e: {  	s19 =	sld [smem:$0x3FDB];
	_ =	sdelay $0x1  }
0x9f: {  	s5 =	simm.s32 $_scs_section_size  }
0xa0: {  	s6 =	simm.s32 $_size__tile_overlayer_lowered;
	s7 =	simm.s32 $_tile_overlayer_lowered  }
0xa1: {  	s22 =	simm.s32 $0x1BFF;
	s21 =	sshll.u32 s7, $0x1;
	s4 =	sadd.s32 s5, s19  }
0xa2: {  	s8 =	simm.s32 $0x0;
	s20 =	sshll.u32 s6, $0x1;
	s6 =	sadd.s32 s21, s4  }
0xa3: {  	[timem:s8], [sflag:s22] =	dma.local [hbm:s6], s20  }
0xa4: {  	_ =	swait.ge [sflag:s22], s20  }
0xa5: {  	s5 =	ssub.s32 $0x0, s20;
	[sflag:s22] =	ssyncset.done $0x0  }
0xa6: {  	[sflag:s22] =	ssyncadd.s32 s5;
	_ =	sdelay $0x1  }
0xa7: {  	s23 =	simm.s32 $0x1B8B  }
0xa8: {  	_ =	swait.ge [sflag:s23], $0x1  }
0xa9: {  	[sflag:s23] =	ssyncset.done $0x0  }
0xaa: {  	s25 =	simm.s32 $0x1B8E;
	s24 =	sld [smem:$0x3FFE];
	[sflag:s23] =	ssyncadd.s32 $0xFFFFFFFF  }
0xab: {  	s26 =	simm.s32 $execute0_lowered;
	[smem:$0x3FD2] =	sst s25  }
0xac: {  	s6 =	sshll.u32 s26, $0x1;
	_ =	strace $0x8000004F;
	[dreg:$0x1] =	wrdreg $0xFFFFFFFF  }
0xad: {  	s28 =	simm.s32 $_size_execute0_lowered;
	s4 =	sadd.s32 s4, s6;
	[dreg:$0x0] =	wrdreg $0x0  }
0xae: {  	s6 =	sshll.u32 s28, $0x1;
	[dreg:$0x2] =	wrdreg s4  }
0xaf: {  	[dreg:$0x3] =	wrdreg s6  }
0xb0: {  	[dreg:$0x4] =	wrdreg $0xC0  }
0xb1: {  	_ =	task [dreg:s8], $0x5FFFF  }
0xb2: {  	[dreg:$0x1] =	wrdreg $0xFFFFFFFF  }
0xb3: {  	[dreg:$0x0] =	wrdreg $0x60  }
0xb4: {  	[dreg:$0x2] =	wrdreg s17  }
0xb5: {  	[dreg:$0x3] =	wrdreg s16  }
0xb6: {  	[dreg:$0x4] =	wrdreg s24  }
0xb7: {  	[dreg:$0x5] =	wrdreg $0xA8000  }
0xb8: {  	[dreg:$0x6] =	wrdreg $0x9  }
0xb9: {  	_ =	task.clear_ibuf [dreg:s8], $0x7FFFF;
	_ =	strace $0x9000004F  }
0xba: {  	s29 =	simm.s32 $0x9;
	_ =	strace $0x80000051  }
0xbb: {  	_ =	swait.ge [sflag:s29], $0x1  }
0xbc: {  	[sflag:s29] =	ssyncadd.s32 $0xFFFFFFFF  }
0xbd: {  	_ =	strace $0x90000051  }
0xbe: {  	_ =	sfence  }
0xbf: {  	s30 =	sld [smem:$0x0];
	_ =	sdelay $0x2  }
0xc0: {  	s31 =	sshll.u32 s1, $0xD;
	s1 =	sshrl.u32 s1, $0x2  }
0xc1: {  	s3 =	sand.u32 $0x4000, s31;
	s1 =	sadd.s32 s1, s30  }
0xc2: {  	s0 =	sor.u32 s3, s0;
	s1 =	sshll.u32 s1, $0x11  }
0xc3: {  	s0 =	sor.u32 s1, s0  }
0xc4: {  	s0 =	sadd.s32 $0x8F2B, s0  }
0xc5: {  	[sflag:s0] =	ssyncadd.remote.s32 $0x1  }
0xc6: {  	_ =	sfence.sel $0xFFFF  }
0xc7: {  	[dreg:$0x0] =	wrdreg $0xFFFFFFFF;
	(pc) =	sbr.abs _section_cstart, $3  }
0xc8: {  	[dreg:$0x1] =	wrdreg $0xFFFFFFFF  }
0xc9: {  	_ =	task.clear_ibuf [dreg:s8], $0x2FFFF;
	_ =	strace $0x9FFFFFFF  }
0xca: {  	(tm) =	ssettm $0x7FFFFFFF  }
0xcb: {  	_ =	shalt  }
tec
execute0_lowered:
.L_overlay_start_1:
0x0: {  	(tag) =	ssettag $0x1  }
0x1: {  	s7 =	rddreg [dreg:$0x0]  }
0x2: {  	s8 =	rddreg [dreg:$0x1]  }
0x3: {  	s5 =	rddreg [dreg:$0x2]  }
0x4: {  	s2 =	rddreg [dreg:$0x3]  }
0x5: {  	s0 =	rddreg [dreg:$0x4];
	s3 =	simm.s32 $0x0;
	s1 =	stileid.u32  }
0x6: {  	s4 =	srdreg.scid;
	s15 =	simm.s32 $0x8000;
	s16 =	simm.s32 $0x1  }
0x7: {  	s17 =	simm.s32 $0x0;
	[smem:$0x7FF] =	sst s3;
	s6 =	smul.u32 $0x2800, s1  }
0x8: {  	s9 =	sand.u32 $0x1, s4;
	s4 =	sadd.s32 $0x8600, s5;
	s12 =	smul.u32 $0x50000, s1  }
0x9: {  	s30 =	sshll.u32 s1, $0xB;
	s31 =	sshll.u32 s1, $0x6;
	_ =	strace $0x80000050  }
0xa: {  	s10 =	smul.u32 $0x28000, s9;
	s11 =	ssub.s32 $0x2, s9;
	s29 =	sshll.u32 s9, $0xF  }
0xb: {  	s13 =	sadd.s32 s6, s5;
	s25 =	sshrl.u32 s11, $0x1;
	s26 =	sshrl.u32 s12, $0x2  }
0xc: {  	s9 =	sor.u32 s30, s29;
	s12 =	simm.s32 $0x2;
	s6 =	sadd.s32 s6, s10  }
0xd: {  	s10 =	ssub.s32 s11, s25;
	s28 =	sadd.s32 s26, s2;
	s7 =	sadd.s32 s7, s9  }
0xe: {  	s8 =	sadd.s32 s8, s9;
	s14 =	sadd.s32 s6, s5;
	s5 =	sadd.s32 $0x2F800, s13  }
0xf: {  	s6 =	sor.u32 $0x1C02, s31;
	s10 =	smax.u32 s10, $0x1;
	s11 =	sshrl.u32 s28, $0x3  }
0x10: {  	s13 =	simm.s32 $0x4000;
	s9 =	sadd.s32 $0xA5C00, s14;
	s14 =	simm.s32 $0x50  }
.LBB2_1:
0x11: {  	[spmem:s11], [sflag:s6] =	dma.local [hbm:s5], $0x2800  }
0x12: {  	_ =	swait.ge [sflag:s12], $0x2800  }
0x13: {  	[sflag:s12] =	ssyncset.done $0x0  }
0x14: {  	[sflag:s12] =	ssyncadd.s32 $0xFFFFD800  }
0x15: {  	[tilespmem:s3], [sflag:$0x2] =	stream.linear.gather [hbm4b:s7+s3], $0x3E80, $0x38;
	[tilespmem:$0x1E800] =	vst v63  }
0x16: {  	_ =	swait.ge [sflag:s12], $0x3E80  }
0x17: {  	[sflag:s12] =	ssyncset.done $0x0  }
0x18: {  	[sflag:s12] =	ssyncadd.s32 $0xFFFFC180  }
0x19: {  	[tilespmem:s13], [sflag:$0x2] =	stream.linear.gather [hbm4b:s8+s3], $0x3E80, $0x38;
	[tilespmem:$0x1E800] =	vst v63  }
0x1a: {  	_ =	swait.ge [sflag:s12], $0x3E80  }
0x1b: {  	[sflag:s12] =	ssyncset.done $0x0  }
0x1c: {  	[sflag:s12] =	ssyncadd.s32 $0xFFFFC180  }
0x1d: {  	s18 =	simm.s32 $0x0;
	[bflag:$0x0] =	sbarrier.arrive $0xFFFF  }
0x1e: {  	[tilespmem:s15], [sflag:$0x1] =	stream.indirect.gather [hbm4b:s4+s14], $0x80, s18, s14, $0xb8;
	[tilespmem:$0x1E800] =	vst v63  }
0x1f: {  	_ =	swait.ge [sflag:s16], $0x2800  }
0x20: {  	[sflag:s16] =	ssyncset.done $0x0  }
0x21: {  	s31 =	simm.s32 $0x4000;
	[sflag:s16] =	ssyncadd.s32 $0xFFFFD800  }
0x22: {  	[spmem:s2] =	stream.indirect.scatter.add.f32 [tilespmem:s15], [sflag:$0x2], $0x80, s31, s14, $0xb8;
	[tilespmem:$0x1E800] =	vst v63  }
0x23: {  	_ =	swait.ge [sflag:s12], $0x2800  }
0x24: {  	s19 =	simm.s32 $0x400;
	s18 =	simm.s32 $0x200;
	[sflag:s12] =	ssyncset.done $0x0  }
.LBB2_2:
0x25: {  	s20 =	sshra.s32 s18, $0x2  }
0x26: {  	[sflag:s12] =	ssyncadd.s32 $0xFFFFD800;
	s18 =	smov.u32 s19;
	s21 =	sadd.s32 $0x200, s19  }
0x27: {  	[tilespmem:s15], [sflag:$0x1] =	stream.indirect.gather [hbm4b:s4+s14], $0x80, s20, s14, $0xb8;
	[tilespmem:$0x1E800] =	vst v63  }
0x28: {  	p0 =	sne.s32 s19, $0xF800;
	_ =	swait.ge [sflag:s16], $0x2800  }
.Ltmp0:
0x29: {  	[sflag:s16] =	ssyncset.done $0x0;
	(pc) =	sbr.rel @p0 .LBB2_2-.Ltmp0, $4  }
0x2a: {  	s19 =	sadd.s32 $0x4000, s20;
	[sflag:s16] =	ssyncadd.s32 $0xFFFFD800  }
0x2b: {  	[spmem:s2] =	stream.indirect.scatter.add.f32 [tilespmem:s15], [sflag:$0x2], $0x80, s19, s14, $0xb8;
	[tilespmem:$0x1E800] =	vst v63  }
0x2c: {  	_ =	swait.ge [sflag:s12], $0x2800  }
0x2d: {  	s19 =	smov.u32 s21;
	[sflag:s12] =	ssyncset.done $0x0  }
0x2e: {  	s18 =	sshra.s32 s18, $0x2;
	[sflag:s12] =	ssyncadd.s32 $0xFFFFD800  }
0x2f: {  	[tilespmem:s15], [sflag:$0x1] =	stream.indirect.gather [hbm4b:s4+s14], $0x80, s18, s14, $0xb8;
	[tilespmem:$0x1E800] =	vst v63  }
0x30: {  	_ =	swait.ge [sflag:s16], $0x2800  }
0x31: {  	[sflag:s16] =	ssyncset.done $0x0  }
0x32: {  	s18 =	sadd.s32 $0x4000, s18;
	[sflag:s16] =	ssyncadd.s32 $0xFFFFD800  }
0x33: {  	[spmem:s2] =	stream.indirect.scatter.add.f32 [tilespmem:s15], [sflag:$0x2], $0x80, s18, s14, $0xb8;
	[tilespmem:$0x1E800] =	vst v63  }
0x34: {  	_ =	swait.ge [sflag:s12], $0x2800  }
0x35: {  	s17 =	sadd.s32 $0x1, s17;
	[sflag:s12] =	ssyncset.done $0x0  }
0x36: {  	p0 =	sne.s32 s17, s10;
	[sflag:s12] =	ssyncadd.s32 $0xFFFFD800  }
.Ltmp1:
0x37: {  	[bflag:$0x0] =	sbarrier.arrive $0xFFFF;
	(pc) =	sbr.rel @p0 .LBB2_1-.Ltmp1, $4  }
0x38: {  	[hbm:s9], [sflag:s6] =	dma.local [spmem:s11], $0x2800  }
0x39: {  	_ =	swait.ge [sflag:s12], $0x2800  }
0x3a: {  	[sflag:s12] =	ssyncset.done $0x0  }
0x3b: {  	[sflag:s12] =	ssyncadd.s32 $0xFFFFD800  }
0x3c: {  	_ =	sfence.sel $0x180000  }
0x3d: {  	[bflag:$0x0] =	sbarrier.arrive $0xFFFF  }
0x3e: {  	p0 =	sne.s32 s1, $0x0;
	_ =	strace $0x90000050  }
0x3f: {  	s0 =	sadd.s32 @!p0 $0x100000, s0;
	[bflag:$0x2] =	sbarrier.arrive $0xFFFF  }
0x40: {  	[sflag:s0] =	ssyncadd.tile.s32 @!p0 $0x1;
	_ =	shalt  }
.Lfunc_end2:
_tile_overlayer_lowered:
.L_overlay_start_2:
0x41: {  	(tag) =	ssettag $0x2  }
0x42: {  	s0 =	rddreg [dreg:$0x0];
	s2 =	stileid.u32  }
0x43: {  	s1 =	rddreg [dreg:$0x1];
	p0 =	sne.s32 s2, $0x0  }
0x44: {  	s3 =	rddreg [dreg:$0x2];
	[bflag:$0x3] =	sbarrier.arrive $0xFFFF;
	s2 =	simm.s32 @!p0 $0x1C02  }
0x45: {  	[timem:s3], [sflag:s2] =	dma.local @!p0 [hbm:s0], s1  }
0x46: {  	s0 =	simm.s32 @!p0 $0x2  }
0x47: {  	_ =	swait.ge @!p0 [sflag:s0], s1  }
0x48: {  	s1 =	ssub.s32 @!p0 $0x0, s1;
	[sflag:s0] =	ssyncset.done @!p0 $0x0  }
0x49: {  	[sflag:s0] =	ssyncadd.s32 @!p0 s1  }
0x4a: {  	[bflag:$0x3] =	sbarrier.arrive $0xFFFF  }
0x4b: {  	_ =	shalt  }

</sc_bundles>
